<compile_context>
chip_gen: v7x
topology: tpu7x:2x2x1
jax: 0.10.2.dev20260603
libtpu: 0.0.44.dev20260713+nightly
codegen_flags: <defaults>
</compile_context>

<pallas_src>
import functools

import jax
import jax.numpy as jnp
from jax import lax
from jax.experimental import pallas as pl
from jax.experimental.pallas import tpu as pltpu
from jax.experimental.pallas import tpu_sc as plsc

FDIM = 768
N_E = 1024
E_DIM = 256
W = 256
BETA = 0.25
N_TOK = 32 * 576
TILE = 512
N_HALF = N_TOK // 2
HALF_TILES = N_HALF // TILE
AUG = FDIM + 128

NC = 2
NS = 16
NW = NC * NS
B_PER_W = N_HALF // NW
CH = 96
N_CH = B_PER_W // CH


def _ln(x, g, b):
    m = jnp.mean(x, axis=-1, keepdims=True)
    v = jnp.mean((x - m) ** 2, axis=-1, keepdims=True)
    return (x - m) / jnp.sqrt(v + 1e-5) * g + b


def _silu(x):
    return x * jax.nn.sigmoid(x)


def _mm(a, b):
    return jax.lax.dot_general(a, b, (((1,), (0,)), ((), ())),
                               preferred_element_type=jnp.float32)


def _prep_kernel(emb, g0, b0, w1, b1, g1, b1b, w2, b2, g2, b2b, w3, b3,
                 cb_out, dec_out, daug_out, nd2_out):
    e = emb[...]
    n = jnp.sqrt(jnp.sum(e * e, axis=-1, keepdims=True))
    cb = e / jnp.maximum(n, 1e-12)
    cb_out[...] = cb
    x = _ln(cb, g0[...], b0[...])
    x = _silu(_mm(x, w1[...]) + b1[...])
    x = _ln(x, g1[...], b1b[...])
    x = _silu(_mm(x, w2[...]) + b2[...])
    x = _ln(x, g2[...], b2b[...])
    dec = _mm(x, w3[...]) + b3[...]
    dec_out[...] = dec
    nd2 = jnp.sum(dec * dec, axis=1, keepdims=True)
    nd2_out[...] = nd2
    ndc = jnp.maximum(jnp.sqrt(nd2), 1e-6)
    daug_out[...] = jnp.concatenate(
        [dec, jnp.broadcast_to(ndc, (N_E, 128))], axis=1)


def _make_main(half):
    def _main_kernel(z_ref, eg0, eb0, ew1, ebi1, eg1, ebb1, ew2, ebi2,
                     eg2, ebb2, ew3, ebi3, cb_ref, daug_ref,
                     h_out, idx_out, hist_out, psum_out,
                     msum_out, csum_out, xsum_out, z2sum_out,
                     psum_acc, pcomp_acc, m_acc, c_acc, x_acc, z2_acc):
        step = pl.program_id(0)

        @pl.when(step == 0)
        def _init():
            psum_acc[...] = jnp.zeros_like(psum_acc)
            pcomp_acc[...] = jnp.zeros_like(pcomp_acc)
            m_acc[...] = jnp.zeros_like(m_acc)
            c_acc[...] = jnp.zeros_like(c_acc)
            x_acc[...] = jnp.zeros_like(x_acc)
            z2_acc[...] = jnp.zeros_like(z2_acc)
            hist_out[...] = jnp.zeros_like(hist_out)

        z = z_ref[...]
        x = _ln(z, eg0[...], eb0[...])
        x = _silu(_mm(x, ew1[...]) + ebi1[...])
        x = _ln(x, eg1[...], ebb1[...])
        x = _silu(_mm(x, ew2[...]) + ebi2[...])
        x = _ln(x, eg2[...], ebb2[...])
        h = _mm(x, ew3[...]) + ebi3[...]
        hn = jnp.sqrt(jnp.sum(h * h, axis=-1, keepdims=True))
        h = h / jnp.maximum(hn, 1e-12)
        h_out[...] = h

        cb = cb_ref[...]
        hn2 = jnp.sqrt(jnp.sum(h * h, axis=-1, keepdims=True))
        hd = h / jnp.maximum(hn2, 1e-12)
        d = jax.lax.dot_general(hd, cb, (((1,), (1,)), ((), ())),
                                preferred_element_type=jnp.float32)
        m = jnp.max(d, axis=1, keepdims=True)
        iota = jax.lax.broadcasted_iota(jnp.int32, d.shape, 1)
        idx = jnp.min(jnp.where(d == m, iota, N_E), axis=1)
        idx_out[...] = idx[:, None]
        one_hot = (iota == idx[:, None]).astype(jnp.float32)
        e = jnp.exp(d - m)
        s = jnp.sum(e, axis=1, keepdims=True)
        prob = e / s
        x_new = jnp.sum(prob, axis=0)[None, :] - pcomp_acc[...]
        t = psum_acc[...] + x_new
        pcomp_acc[...] = (t - psum_acc[...]) - x_new
        psum_acc[...] = t
        hist_out[...] += jnp.sum(one_hot, axis=0)[None, :]

        p_aug = _mm(one_hot, daug_ref[...])
        zhat = p_aug[:, :FDIM]
        ndi = p_aug[:, FDIM:FDIM + 1]
        z2 = jnp.sum(z * z, axis=-1, keepdims=True)
        zn = jnp.sqrt(z2)
        rdot = jnp.sum(zhat * z, axis=-1, keepdims=True)
        cosr = rdot / (ndi * jnp.maximum(zn, 1e-6))

        m_acc[...] += jnp.sum(m, axis=0, keepdims=True)
        c_acc[...] += jnp.sum(cosr, axis=0, keepdims=True)
        x_acc[...] += jnp.sum(rdot, axis=0, keepdims=True)
        z2_acc[...] += jnp.sum(z2, axis=0, keepdims=True)

        @pl.when(step == HALF_TILES - 1)
        def _finalize():
            psum_out[...] = psum_acc[...]
            msum_out[...] = m_acc[...]
            csum_out[...] = c_acc[...]
            xsum_out[...] = x_acc[...]
            z2sum_out[...] = z2_acc[...]

    return _main_kernel


def _epilogue_kernel(nd2_ref, hist0, hist1, psum0, psum1,
                     msum0, msum1, csum0, csum1, xsum0, xsum1,
                     z20, z21,
                     rec_out, commit_out, kl_out, lb_out, perp_out):
    n_tok = jnp.float32(N_TOK)
    hist = hist0[...] + hist1[...]
    psum = psum0[...] + psum1[...]
    hn2 = jax.lax.dot_general(hist, nd2_ref[...], (((1,), (0,)), ((), ())),
                              preferred_element_type=jnp.float32)
    mse = hn2 - 2.0 * (xsum0[...] + xsum1[...]) + z20[...] + z21[...]
    rec_out[...] = (1.0 - (csum0[...] + csum1[...]) / n_tok
                    + 0.001 * mse / (n_tok * FDIM))
    commit_out[...] = ((1.0 + BETA)
                       * (1.0 - (msum0[...] + msum1[...]) / n_tok))
    e_mean = hist / n_tok
    p = psum / n_tok
    kl_out[...] = jnp.sum(p * (jnp.log(p) - jnp.log(1.0 / N_E)),
                          axis=1, keepdims=True)
    lb_out[...] = jnp.sum(e_mean * p, axis=1, keepdims=True)
    perp_out[...] = jnp.exp(-jnp.sum(e_mean * jnp.log(e_mean + 1e-6),
                                     axis=1, keepdims=True))


def _gather_call(dec_tab, idx3d):
    mesh = plsc.VectorSubcoreMesh(core_axis_name="c", subcore_axis_name="s")

    @functools.partial(
        pl.kernel, mesh=mesh,
        out_type=jax.ShapeDtypeStruct((N_HALF, FDIM), jnp.float32),
        scratch_types=[pltpu.VMEM((N_CH, CH), jnp.int32),
                       pltpu.VMEM((CH, FDIM), jnp.float32),
                       pltpu.SemaphoreType.DMA],
    )
    def k(table_hbm, idx_hbm, out_hbm, idx_v, rows_v, sem):
        wid = lax.axis_index("s") * NC + lax.axis_index("c")
        pltpu.sync_copy(idx_hbm.at[wid], idx_v)
        base = wid * B_PER_W

        def body(j, carry):
            pltpu.async_copy(table_hbm.at[idx_v.at[j]], rows_v, sem).wait()
            pltpu.sync_copy(rows_v, out_hbm.at[pl.ds(base + j * CH, CH)])
            return carry

        lax.fori_loop(0, N_CH, body, 0)

    return k(dec_tab, idx3d)


def _row(v):
    return v.reshape(1, -1)


@jax.jit
def kernel(z, params):
    f32 = jnp.float32
    sds = jax.ShapeDtypeStruct
    z_flat = z.reshape(-1, FDIM)

    prep_args = (params['emb'],
                 _row(params['dec_ln0_g']), _row(params['dec_ln0_b']),
                 params['dec_w1'], _row(params['dec_b1']),
                 _row(params['dec_ln1_g']), _row(params['dec_ln1_b']),
                 params['dec_w2'], _row(params['dec_b2']),
                 _row(params['dec_ln2_g']), _row(params['dec_ln2_b']),
                 params['dec_w3'], _row(params['dec_b3']))
    cb, dec_tab, daug, nd2 = pl.pallas_call(
        _prep_kernel,
        out_shape=(sds((N_E, E_DIM), f32), sds((N_E, FDIM), f32),
                   sds((N_E, AUG), f32), sds((N_E, 1), f32)),
    )(*prep_args)

    enc_args = (_row(params['enc_ln0_g']), _row(params['enc_ln0_b']),
                params['enc_w1'], _row(params['enc_b1']),
                _row(params['enc_ln1_g']), _row(params['enc_ln1_b']),
                params['enc_w2'], _row(params['enc_b2']),
                _row(params['enc_ln2_g']), _row(params['enc_ln2_b']),
                params['enc_w3'], _row(params['enc_b3']))

    full = lambda a: pl.BlockSpec(a.shape, lambda i: (0, 0))
    vec_spec = pl.BlockSpec((1, N_E), lambda i: (0, 0))
    scal_spec = pl.BlockSpec((1, 1), lambda i: (0, 0))
    scal = sds((1, 1), f32)

    def run_half(half, h_prev):
        in_specs = [pl.BlockSpec((TILE, FDIM),
                                 lambda i, _h=half: (i + _h * HALF_TILES, 0))]
        for a in enc_args:
            in_specs.append(full(a))
        in_specs.append(pl.BlockSpec((N_E, E_DIM), lambda i: (0, 0)))
        in_specs.append(pl.BlockSpec((N_E, AUG), lambda i: (0, 0)))
        args = [z_flat, *enc_args, cb, daug]
        kwargs = {}
        if h_prev is not None:
            in_specs.append(pl.BlockSpec(memory_space=pl.ANY))
            args.append(h_prev)
            kwargs = dict(input_output_aliases={len(args) - 1: 0})
        out_shape = (sds((N_TOK, E_DIM), f32),
                     sds((N_HALF, 1), jnp.int32),
                     sds((1, N_E), f32),
                     sds((1, N_E), f32),
                     scal, scal, scal, scal)
        out_specs = (pl.BlockSpec((TILE, E_DIM),
                                  lambda i, _h=half: (i + _h * HALF_TILES, 0)),
                     pl.BlockSpec((TILE, 1), lambda i: (i, 0)),
                     vec_spec, vec_spec,
                     scal_spec, scal_spec, scal_spec, scal_spec)
        body = _make_main(half)
        if h_prev is not None:
            def body(*refs, _inner=_make_main(half)):
                _inner(*refs[:15], *refs[16:])
        return pl.pallas_call(
            body,
            grid=(HALF_TILES,),
            in_specs=in_specs,
            out_specs=out_specs,
            out_shape=out_shape,
            scratch_shapes=[pltpu.VMEM((1, N_E), f32),
                            pltpu.VMEM((1, N_E), f32),
                            pltpu.VMEM((1, 1), f32),
                            pltpu.VMEM((1, 1), f32),
                            pltpu.VMEM((1, 1), f32),
                            pltpu.VMEM((1, 1), f32)],
            compiler_params=pltpu.CompilerParams(
                dimension_semantics=("arbitrary",)),
            **kwargs,
        )(*args)

    h0, idx0, hist0, psum0, ms0, cs0, xs0, z20 = run_half(0, None)
    zhat0 = _gather_call(dec_tab, idx0.reshape(NW, N_CH, CH))
    h, idx1, hist1, psum1, ms1, cs1, xs1, z21 = run_half(1, h0)
    zhat1 = _gather_call(dec_tab, idx1.reshape(NW, N_CH, CH))
    zhat = jnp.concatenate([zhat0, zhat1], axis=0)

    rec, commit, kl, lb, perp = pl.pallas_call(
        _epilogue_kernel,
        out_shape=(scal, scal, scal, scal, scal),
    )(nd2, hist0, hist1, psum0, psum1, ms0, ms1, cs0, cs1, xs0, xs1,
      z20, z21)

    return (zhat, rec[0, 0], commit[0, 0], kl[0, 0], lb[0, 0], cb, h,
            perp[0, 0])

# --- scband reference (transcript-rebuilt; emitter-appended) ---
"""Pipeline reference for scband-vector-quantizer-ae-70763881168915 (READ-ONLY COPY).

The authoritative reference and input builder live on the scoring server;
editing this copy changes nothing except your own understanding.
"""

import jax, jax.numpy as jnp
import numpy as np

FDIM = 768
N_E = 1024
E_DIM = 256
W = 256
BETA = 0.25


def _ln(x, g, b):
    m = jnp.mean(x, axis=-1, keepdims=True)
    v = jnp.mean((x - m) ** 2, axis=-1, keepdims=True)
    return (x - m) / jnp.sqrt(v + 1e-5) * g + b


def _silu(x):
    return x * jax.nn.sigmoid(x)


def _fnorm(x, eps=1e-12):
    n = jnp.linalg.norm(x, axis=-1, keepdims=True)
    return x / jnp.maximum(n, eps)


def _cos(a, b, eps=1e-8):
    num = jnp.sum(a * b, axis=-1)
    den = jnp.linalg.norm(a, axis=-1) * jnp.linalg.norm(b, axis=-1)
    return num / jnp.maximum(den, eps)


def _mlp(x, p, pre):
    x = _ln(x, p[pre + '_ln0_g'], p[pre + '_ln0_b'])
    x = x @ p[pre + '_w1'] + p[pre + '_b1']
    x = _silu(x)
    x = _ln(x, p[pre + '_ln1_g'], p[pre + '_ln1_b'])
    x = x @ p[pre + '_w2'] + p[pre + '_b2']
    x = _silu(x)
    x = _ln(x, p[pre + '_ln2_g'], p[pre + '_ln2_b'])
    x = x @ p[pre + '_w3'] + p[pre + '_b3']
    return x


def _forward(z, params):
    z_flat = z.reshape(-1, FDIM)
    h = _mlp(z_flat, params, 'enc')
    h = _fnorm(h)
    # VectorQuantizer
    zf = h.reshape(-1, E_DIM)
    cb = _fnorm(params['emb'])
    d = _fnorm(zf) @ _fnorm(cb).T
    idx = jnp.argmax(d, axis=1)
    prob = jax.nn.softmax(d, axis=1)
    one_hot = jax.nn.one_hot(idx, N_E, dtype=d.dtype)  # scatter_(1, idx, 1)
    z_q = (one_hot @ cb).reshape(h.shape)
    commit = (1.0 - jnp.mean(_cos(z_q, jax.lax.stop_gradient(h)))
              + BETA * (1.0 - jnp.mean(_cos(jax.lax.stop_gradient(z_q), h))))
    # cb pairwise cosine (computed in torch _loss, result unused in returned loss)
    nrm = jnp.linalg.norm(cb, axis=-1)
    cb_cos = (cb @ cb.T) / jnp.maximum(nrm[:, None] * nrm[None, :], 1e-8)
    cb_neg = (jnp.sum(cb_cos, axis=1) - cb_cos[0, 0]) / (cb_cos.shape[0] - 1)
    del cb_neg
    e_mean = jnp.mean(one_hot, axis=0)
    p = jnp.mean(prob, axis=0)
    kl = jnp.sum(p * (jnp.log(p) - jnp.log(1.0 / N_E)))
    lb = jnp.sum(e_mean * jnp.mean(prob.reshape(-1, N_E), axis=0))
    z_q = h + jax.lax.stop_gradient(z_q - h)  # straight-through
    perp = jnp.exp(-jnp.sum(e_mean * jnp.log(e_mean + 1e-6)))
    # decoder + reconstruction loss
    z_hat = _mlp(z_q, params, 'dec')
    a = z_hat / jnp.maximum(jnp.linalg.norm(z_hat, axis=1, keepdims=True), 1e-6)
    b = z_flat / jnp.maximum(jnp.linalg.norm(z_flat, axis=1, keepdims=True), 1e-6)
    rec = 1.0 - jnp.mean(jnp.sum(a * b, axis=1)) + 0.001 * jnp.mean((z_hat - z_flat) ** 2)
    return (z_hat, rec, commit, kl, lb, cb, h, perp)


def setup_inputs(seed: int = 0) -> dict:
    key = jax.random.key(seed)
    ks = jax.random.split(key, 16)
    z = jax.random.normal(ks[0], (32, 576, FDIM), dtype=jnp.float32)
    bound = 1.0 / np.sqrt(E_DIM)
    params = {
        'enc_ln0_g': jnp.ones((FDIM,), jnp.float32), 'enc_ln0_b': jnp.zeros((FDIM,), jnp.float32),
        'enc_w1': jax.random.normal(ks[1], (FDIM, W), jnp.float32) * 0.02, 'enc_b1': jnp.zeros((W,), jnp.float32),
        'enc_ln1_g': jnp.ones((W,), jnp.float32), 'enc_ln1_b': jnp.zeros((W,), jnp.float32),
        'enc_w2': jax.random.normal(ks[2], (W, W), jnp.float32) * 0.02, 'enc_b2': jnp.zeros((W,), jnp.float32),
        'enc_ln2_g': jnp.ones((W,), jnp.float32), 'enc_ln2_b': jnp.zeros((W,), jnp.float32),
        'enc_w3': jax.random.normal(ks[3], (W, E_DIM), jnp.float32) * 0.02, 'enc_b3': jnp.zeros((E_DIM,), jnp.float32),
        'dec_ln0_g': jnp.ones((E_DIM,), jnp.float32), 'dec_ln0_b': jnp.zeros((E_DIM,), jnp.float32),
        'dec_w1': jax.random.normal(ks[4], (E_DIM, W), jnp.float32) * 0.02, 'dec_b1': jnp.zeros((W,), jnp.float32),
        'dec_ln1_g': jnp.ones((W,), jnp.float32), 'dec_ln1_b': jnp.zeros((W,), jnp.float32),
        'dec_w2': jax.random.normal(ks[5], (W, W), jnp.float32) * 0.02, 'dec_b2': jnp.zeros((W,), jnp.float32),
        'dec_ln2_g': jnp.ones((W,), jnp.float32), 'dec_ln2_b': jnp.zeros((W,), jnp.float32),
        'dec_w3': jax.random.normal(ks[6], (W, FDIM), jnp.float32) * 0.02, 'dec_b3': jnp.zeros((FDIM,), jnp.float32),
        'emb': jax.random.uniform(ks[7], (N_E, E_DIM), jnp.float32, minval=-bound, maxval=bound),
    }
    return {'z': z, 'params': params}


def reference(z, params):
    return _forward(z, params)

if __name__ == "__main__":
    import jax
    _d = setup_inputs()
    print(jax.jit(kernel)(*tuple(_d.values())))

</pallas_src>

<mosaic_0001>
#map = affine_map<(d0, d1) -> (0, 0)>
#map1 = affine_map<(d0, d1) -> (0, 0, 0)>
module attributes {stable_mosaic.version = 14 : i64} {
  func.func @k(%arg0: i32, %arg1: i32, %arg2: memref<1024x768xf32, #tpu.memory_space<hbm>>, %arg3: memref<32x3x96xi32, #tpu.memory_space<hbm>>, %arg4: memref<9216x768xf32, #tpu.memory_space<hbm>>, %arg5: memref<3x96xi32, #tpu.memory_space<vmem>>, %arg6: memref<96x768xf32, #tpu.memory_space<vmem>>, %arg7: memref<!tpu.dma_semaphore, #tpu.memory_space<semaphore_mem>>) attributes {dimension_semantics = [#tpu.dimension_semantics<core_parallel>, #tpu.dimension_semantics<subcore_parallel>], iteration_bounds = array<i64: 2, 16>, scalar_prefetch = 0 : i64, scratch_operands = 3 : i64, tpu.core_type = #tpu.core_type<sc_vector_subcore>, window_params = [{transform_indices = #map}, {transform_indices = #map1}, {transform_indices = #map}]} {
    %mul3A = arith.constant 2 : i32
    %mul3A_0 = arith.muli %arg1, %mul3A : i32
    %add3A = arith.addi %mul3A_0, %arg0 : i32
    "tpu.region"() ({
      %run_scoped3A = tpu.sem_alloc : memref<!tpu.dma_semaphore, #tpu.memory_space<semaphore_mem>>
      %dma_start3A = arith.constant 0 : i32
      %dma_start3A_8 = arith.constant 0 : i32
      %dma_start3A_9 = tpu.memref_slice %arg3[%add3A, %dma_start3A, %dma_start3A_8] : memref<32x3x96xi32, #tpu.memory_space<hbm>> -> memref<1x3x96xi32, #tpu.memory_space<hbm>>
      %dma_start3A_10 = tpu.memref_squeeze %dma_start3A_9 : memref<1x3x96xi32, #tpu.memory_space<hbm>> -> memref<3x96xi32, #tpu.memory_space<hbm>>
      %dma_start3A_11 = arith.constant 0 : i32
      %dma_start3A_12 = arith.constant 0 : i32
      %dma_start3A_13 = tpu.memref_slice %arg3[%add3A, %dma_start3A_11, %dma_start3A_12] : memref<32x3x96xi32, #tpu.memory_space<hbm>> -> memref<1x3x96xi32, #tpu.memory_space<hbm>>
      %dma_start3A_14 = tpu.memref_squeeze %dma_start3A_13 : memref<1x3x96xi32, #tpu.memory_space<hbm>> -> memref<3x96xi32, #tpu.memory_space<hbm>>
      tpu.enqueue_dma source(%dma_start3A_14 : memref<3x96xi32, #tpu.memory_space<hbm>>) target(%arg5 : memref<3x96xi32, #tpu.memory_space<vmem>>) target_semaphore(%run_scoped3A : memref<!tpu.dma_semaphore, #tpu.memory_space<semaphore_mem>>)
      %dma_wait3A = arith.constant 0 : i32
      %dma_wait3A_15 = arith.constant 0 : i32
      %dma_wait3A_16 = tpu.memref_slice %arg3[%add3A, %dma_wait3A, %dma_wait3A_15] : memref<32x3x96xi32, #tpu.memory_space<hbm>> -> memref<1x3x96xi32, #tpu.memory_space<hbm>>
      %dma_wait3A_17 = tpu.memref_squeeze %dma_wait3A_16 : memref<1x3x96xi32, #tpu.memory_space<hbm>> -> memref<3x96xi32, #tpu.memory_space<hbm>>
      %dma_wait3A_18 = arith.constant 0 : i32
      %dma_wait3A_19 = arith.constant 0 : i32
      %dma_wait3A_20 = tpu.memref_slice %arg3[%add3A, %dma_wait3A_18, %dma_wait3A_19] : memref<32x3x96xi32, #tpu.memory_space<hbm>> -> memref<1x3x96xi32, #tpu.memory_space<hbm>>
      %dma_wait3A_21 = tpu.memref_squeeze %dma_wait3A_20 : memref<1x3x96xi32, #tpu.memory_space<hbm>> -> memref<3x96xi32, #tpu.memory_space<hbm>>
      tpu.wait_dma2 semaphore(%run_scoped3A : memref<!tpu.dma_semaphore, #tpu.memory_space<semaphore_mem>>) src(%dma_wait3A_21 : memref<3x96xi32, #tpu.memory_space<hbm>>) dst(%arg5 : memref<3x96xi32, #tpu.memory_space<vmem>>)
      tpu.yield
    }) : () -> ()
    %mul3A_1 = arith.constant 288 : i32
    %mul3A_2 = arith.muli %add3A, %mul3A_1 : i32
    %scan3A = arith.constant 0 : i32
    %scan3A_3 = arith.constant 0 : i32
    %scan3A_4 = arith.constant 3 : i32
    %scan3A_5 = arith.addi %scan3A_3, %scan3A_4 : i32
    %scan3A_6 = arith.constant 1 : i32
    scf.for %scan3A_8 = %scan3A_3 to %scan3A_5 step %scan3A_6  : i32 {
      %dma_start3A = arith.constant 0 : i32
      %dma_start3A_9 = tpu.memref_slice %arg5[%scan3A_8, %dma_start3A] : memref<3x96xi32, #tpu.memory_space<vmem>> -> memref<1x96xi32, #tpu.memory_space<vmem>>
      %dma_start3A_10 = tpu.memref_squeeze %dma_start3A_9 : memref<1x96xi32, #tpu.memory_space<vmem>> -> memref<96xi32, #tpu.memory_space<vmem>>
      %dma_start3A_11 = arith.constant 0 : i32
      %dma_start3A_12 = arith.constant 0 : i32
      %dma_start3A_13 = tpu.memref_slice %arg2[%dma_start3A_11, %dma_start3A_12] : memref<1024x768xf32, #tpu.memory_space<hbm>> -> memref<1024x768xf32, #tpu.memory_space<hbm>>
      tpu.enqueue_indirect_dma source(%dma_start3A_13 : memref<1024x768xf32, #tpu.memory_space<hbm>>) target(%arg6 : memref<96x768xf32, #tpu.memory_space<vmem>>) offsets(%dma_start3A_10 : memref<96xi32, #tpu.memory_space<vmem>>) semaphore(%arg7 : memref<!tpu.dma_semaphore, #tpu.memory_space<semaphore_mem>>)
      %dma_wait3A = arith.constant 0 : i32
      %dma_wait3A_14 = tpu.memref_slice %arg5[%scan3A_8, %dma_wait3A] : memref<3x96xi32, #tpu.memory_space<vmem>> -> memref<1x96xi32, #tpu.memory_space<vmem>>
      %dma_wait3A_15 = tpu.memref_squeeze %dma_wait3A_14 : memref<1x96xi32, #tpu.memory_space<vmem>> -> memref<96xi32, #tpu.memory_space<vmem>>
      %dma_wait3A_16 = arith.constant 0 : i32
      %dma_wait3A_17 = arith.constant 0 : i32
      %dma_wait3A_18 = tpu.memref_slice %arg2[%dma_wait3A_16, %dma_wait3A_17] : memref<1024x768xf32, #tpu.memory_space<hbm>> -> memref<1024x768xf32, #tpu.memory_space<hbm>>
      tpu.wait_indirect_dma semaphore(%arg7 : memref<!tpu.dma_semaphore, #tpu.memory_space<semaphore_mem>>) src(%dma_wait3A_18 : memref<1024x768xf32, #tpu.memory_space<hbm>>) dst(%arg6 : memref<96x768xf32, #tpu.memory_space<vmem>>)
      %mul3A_19 = arith.constant 96 : i32
      %mul3A_20 = arith.muli %scan3A_8, %mul3A_19 : i32
      %add3A_21 = arith.addi %mul3A_2, %mul3A_20 : i32
      "tpu.region"() ({
        %run_scoped3A = tpu.sem_alloc : memref<!tpu.dma_semaphore, #tpu.memory_space<semaphore_mem>>
        %dma_start3A_22 = arith.constant 0 : i32
        %dma_start3A_23 = tpu.memref_slice %arg4[%add3A_21, %dma_start3A_22] : memref<9216x768xf32, #tpu.memory_space<hbm>> -> memref<96x768xf32, #tpu.memory_space<hbm>>
        %dma_start3A_24 = arith.constant 0 : i32
        %dma_start3A_25 = tpu.memref_slice %arg4[%add3A_21, %dma_start3A_24] : memref<9216x768xf32, #tpu.memory_space<hbm>> -> memref<96x768xf32, #tpu.memory_space<hbm>>
        tpu.enqueue_dma source(%arg6 : memref<96x768xf32, #tpu.memory_space<vmem>>) target(%dma_start3A_25 : memref<96x768xf32, #tpu.memory_space<hbm>>) target_semaphore(%run_scoped3A : memref<!tpu.dma_semaphore, #tpu.memory_space<semaphore_mem>>)
        %dma_wait3A_26 = arith.constant 0 : i32
        %dma_wait3A_27 = tpu.memref_slice %arg4[%add3A_21, %dma_wait3A_26] : memref<9216x768xf32, #tpu.memory_space<hbm>> -> memref<96x768xf32, #tpu.memory_space<hbm>>
        %dma_wait3A_28 = arith.constant 0 : i32
        %dma_wait3A_29 = tpu.memref_slice %arg4[%add3A_21, %dma_wait3A_28] : memref<9216x768xf32, #tpu.memory_space<hbm>> -> memref<96x768xf32, #tpu.memory_space<hbm>>
        tpu.wait_dma2 semaphore(%run_scoped3A : memref<!tpu.dma_semaphore, #tpu.memory_space<semaphore_mem>>) src(%arg6 : memref<96x768xf32, #tpu.memory_space<vmem>>) dst(%dma_wait3A_29 : memref<96x768xf32, #tpu.memory_space<hbm>>)
        tpu.yield
      }) : () -> ()
    }
    %scan3A_7 = arith.constant 3 : i32
    return
  }
}

#map = affine_map<(d0, d1) -> (0, 0)>
#map1 = affine_map<(d0, d1) -> (0, 0, 0)>
module attributes {stable_mosaic.version = 14 : i64} {
  func.func @k(%arg0: i32, %arg1: i32, %arg2: memref<1024x768xf32, #tpu.memory_space<hbm>>, %arg3: memref<32x3x96xi32, #tpu.memory_space<hbm>>, %arg4: memref<9216x768xf32, #tpu.memory_space<hbm>>, %arg5: memref<3x96xi32, #tpu.memory_space<vmem>>, %arg6: memref<96x768xf32, #tpu.memory_space<vmem>>, %arg7: memref<!tpu.dma_semaphore, #tpu.memory_space<semaphore_mem>>) attributes {dimension_semantics = [#tpu.dimension_semantics<core_parallel>, #tpu.dimension_semantics<subcore_parallel>], iteration_bounds = array<i64: 2, 16>, scalar_prefetch = 0 : i64, scratch_operands = 3 : i64, tpu.core_type = #tpu.core_type<sc_vector_subcore>, window_params = [{transform_indices = #map}, {transform_indices = #map1}, {transform_indices = #map}]} {
    %mul3A = arith.constant 2 : i32
    %mul3A_0 = arith.muli %arg1, %mul3A : i32
    %add3A = arith.addi %mul3A_0, %arg0 : i32
    "tpu.region"() ({
      %run_scoped3A = tpu.sem_alloc : memref<!tpu.dma_semaphore, #tpu.memory_space<semaphore_mem>>
      %dma_start3A = arith.constant 0 : i32
      %dma_start3A_8 = arith.constant 0 : i32
      %dma_start3A_9 = tpu.memref_slice %arg3[%add3A, %dma_start3A, %dma_start3A_8] : memref<32x3x96xi32, #tpu.memory_space<hbm>> -> memref<1x3x96xi32, #tpu.memory_space<hbm>>
      %dma_start3A_10 = tpu.memref_squeeze %dma_start3A_9 : memref<1x3x96xi32, #tpu.memory_space<hbm>> -> memref<3x96xi32, #tpu.memory_space<hbm>>
      %dma_start3A_11 = arith.constant 0 : i32
      %dma_start3A_12 = arith.constant 0 : i32
      %dma_start3A_13 = tpu.memref_slice %arg3[%add3A, %dma_start3A_11, %dma_start3A_12] : memref<32x3x96xi32, #tpu.memory_space<hbm>> -> memref<1x3x96xi32, #tpu.memory_space<hbm>>
      %dma_start3A_14 = tpu.memref_squeeze %dma_start3A_13 : memref<1x3x96xi32, #tpu.memory_space<hbm>> -> memref<3x96xi32, #tpu.memory_space<hbm>>
      tpu.enqueue_dma source(%dma_start3A_14 : memref<3x96xi32, #tpu.memory_space<hbm>>) target(%arg5 : memref<3x96xi32, #tpu.memory_space<vmem>>) target_semaphore(%run_scoped3A : memref<!tpu.dma_semaphore, #tpu.memory_space<semaphore_mem>>)
      %dma_wait3A = arith.constant 0 : i32
      %dma_wait3A_15 = arith.constant 0 : i32
      %dma_wait3A_16 = tpu.memref_slice %arg3[%add3A, %dma_wait3A, %dma_wait3A_15] : memref<32x3x96xi32, #tpu.memory_space<hbm>> -> memref<1x3x96xi32, #tpu.memory_space<hbm>>
      %dma_wait3A_17 = tpu.memref_squeeze %dma_wait3A_16 : memref<1x3x96xi32, #tpu.memory_space<hbm>> -> memref<3x96xi32, #tpu.memory_space<hbm>>
      %dma_wait3A_18 = arith.constant 0 : i32
      %dma_wait3A_19 = arith.constant 0 : i32
      %dma_wait3A_20 = tpu.memref_slice %arg3[%add3A, %dma_wait3A_18, %dma_wait3A_19] : memref<32x3x96xi32, #tpu.memory_space<hbm>> -> memref<1x3x96xi32, #tpu.memory_space<hbm>>
      %dma_wait3A_21 = tpu.memref_squeeze %dma_wait3A_20 : memref<1x3x96xi32, #tpu.memory_space<hbm>> -> memref<3x96xi32, #tpu.memory_space<hbm>>
      tpu.wait_dma2 semaphore(%run_scoped3A : memref<!tpu.dma_semaphore, #tpu.memory_space<semaphore_mem>>) src(%dma_wait3A_21 : memref<3x96xi32, #tpu.memory_space<hbm>>) dst(%arg5 : memref<3x96xi32, #tpu.memory_space<vmem>>)
      tpu.yield
    }) : () -> ()
    %mul3A_1 = arith.constant 288 : i32
    %mul3A_2 = arith.muli %add3A, %mul3A_1 : i32
    %scan3A = arith.constant 0 : i32
    %scan3A_3 = arith.constant 0 : i32
    %scan3A_4 = arith.constant 3 : i32
    %scan3A_5 = arith.addi %scan3A_3, %scan3A_4 : i32
    %scan3A_6 = arith.constant 1 : i32
    scf.for %scan3A_8 = %scan3A_3 to %scan3A_5 step %scan3A_6  : i32 {
      %dma_start3A = arith.constant 0 : i32
      %dma_start3A_9 = tpu.memref_slice %arg5[%scan3A_8, %dma_start3A] : memref<3x96xi32, #tpu.memory_space<vmem>> -> memref<1x96xi32, #tpu.memory_space<vmem>>
      %dma_start3A_10 = tpu.memref_squeeze %dma_start3A_9 : memref<1x96xi32, #tpu.memory_space<vmem>> -> memref<96xi32, #tpu.memory_space<vmem>>
      %dma_start3A_11 = arith.constant 0 : i32
      %dma_start3A_12 = arith.constant 0 : i32
      %dma_start3A_13 = tpu.memref_slice %arg2[%dma_start3A_11, %dma_start3A_12] : memref<1024x768xf32, #tpu.memory_space<hbm>> -> memref<1024x768xf32, #tpu.memory_space<hbm>>
      tpu.enqueue_indirect_dma source(%dma_start3A_13 : memref<1024x768xf32, #tpu.memory_space<hbm>>) target(%arg6 : memref<96x768xf32, #tpu.memory_space<vmem>>) offsets(%dma_start3A_10 : memref<96xi32, #tpu.memory_space<vmem>>) semaphore(%arg7 : memref<!tpu.dma_semaphore, #tpu.memory_space<semaphore_mem>>)
      %dma_wait3A = arith.constant 0 : i32
      %dma_wait3A_14 = tpu.memref_slice %arg5[%scan3A_8, %dma_wait3A] : memref<3x96xi32, #tpu.memory_space<vmem>> -> memref<1x96xi32, #tpu.memory_space<vmem>>
      %dma_wait3A_15 = tpu.memref_squeeze %dma_wait3A_14 : memref<1x96xi32, #tpu.memory_space<vmem>> -> memref<96xi32, #tpu.memory_space<vmem>>
      %dma_wait3A_16 = arith.constant 0 : i32
      %dma_wait3A_17 = arith.constant 0 : i32
      %dma_wait3A_18 = tpu.memref_slice %arg2[%dma_wait3A_16, %dma_wait3A_17] : memref<1024x768xf32, #tpu.memory_space<hbm>> -> memref<1024x768xf32, #tpu.memory_space<hbm>>
      tpu.wait_indirect_dma semaphore(%arg7 : memref<!tpu.dma_semaphore, #tpu.memory_space<semaphore_mem>>) src(%dma_wait3A_18 : memref<1024x768xf32, #tpu.memory_space<hbm>>) dst(%arg6 : memref<96x768xf32, #tpu.memory_space<vmem>>)
      %mul3A_19 = arith.constant 96 : i32
      %mul3A_20 = arith.muli %scan3A_8, %mul3A_19 : i32
      %add3A_21 = arith.addi %mul3A_2, %mul3A_20 : i32
      "tpu.region"() ({
        %run_scoped3A = tpu.sem_alloc : memref<!tpu.dma_semaphore, #tpu.memory_space<semaphore_mem>>
        %dma_start3A_22 = arith.constant 0 : i32
        %dma_start3A_23 = tpu.memref_slice %arg4[%add3A_21, %dma_start3A_22] : memref<9216x768xf32, #tpu.memory_space<hbm>> -> memref<96x768xf32, #tpu.memory_space<hbm>>
        %dma_start3A_24 = arith.constant 0 : i32
        %dma_start3A_25 = tpu.memref_slice %arg4[%add3A_21, %dma_start3A_24] : memref<9216x768xf32, #tpu.memory_space<hbm>> -> memref<96x768xf32, #tpu.memory_space<hbm>>
        tpu.enqueue_dma source(%arg6 : memref<96x768xf32, #tpu.memory_space<vmem>>) target(%dma_start3A_25 : memref<96x768xf32, #tpu.memory_space<hbm>>) target_semaphore(%run_scoped3A : memref<!tpu.dma_semaphore, #tpu.memory_space<semaphore_mem>>)
        %dma_wait3A_26 = arith.constant 0 : i32
        %dma_wait3A_27 = tpu.memref_slice %arg4[%add3A_21, %dma_wait3A_26] : memref<9216x768xf32, #tpu.memory_space<hbm>> -> memref<96x768xf32, #tpu.memory_space<hbm>>
        %dma_wait3A_28 = arith.constant 0 : i32
        %dma_wait3A_29 = tpu.memref_slice %arg4[%add3A_21, %dma_wait3A_28] : memref<9216x768xf32, #tpu.memory_space<hbm>> -> memref<96x768xf32, #tpu.memory_space<hbm>>
        tpu.wait_dma2 semaphore(%run_scoped3A : memref<!tpu.dma_semaphore, #tpu.memory_space<semaphore_mem>>) src(%arg6 : memref<96x768xf32, #tpu.memory_space<vmem>>) dst(%dma_wait3A_29 : memref<96x768xf32, #tpu.memory_space<hbm>>)
        tpu.yield
      }) : () -> ()
    }
    %scan3A_7 = arith.constant 3 : i32
    return
  }
}

module attributes {stable_mosaic.version = 14 : i64} {
  func.func @_prep_kernel(%arg0: memref<1024x256xf32, #tpu.memory_space<vmem>>, %arg1: memref<1x256xf32, #tpu.memory_space<vmem>>, %arg2: memref<1x256xf32, #tpu.memory_space<vmem>>, %arg3: memref<256x256xf32, #tpu.memory_space<vmem>>, %arg4: memref<1x256xf32, #tpu.memory_space<vmem>>, %arg5: memref<1x256xf32, #tpu.memory_space<vmem>>, %arg6: memref<1x256xf32, #tpu.memory_space<vmem>>, %arg7: memref<256x256xf32, #tpu.memory_space<vmem>>, %arg8: memref<1x256xf32, #tpu.memory_space<vmem>>, %arg9: memref<1x256xf32, #tpu.memory_space<vmem>>, %arg10: memref<1x256xf32, #tpu.memory_space<vmem>>, %arg11: memref<256x768xf32, #tpu.memory_space<vmem>>, %arg12: memref<1x768xf32, #tpu.memory_space<vmem>>, %arg13: memref<1024x256xf32, #tpu.memory_space<vmem>>, %arg14: memref<1024x768xf32, #tpu.memory_space<vmem>>, %arg15: memref<1024x896xf32, #tpu.memory_space<vmem>>, %arg16: memref<1024x1xf32, #tpu.memory_space<vmem>>) attributes {dimension_semantics = [], scalar_prefetch = 0 : i64, scratch_operands = 0 : i64, tpu.core_type = #tpu.core_type<tc>} {
    %get3A = arith.constant 0 : index
    %get3A_0 = arith.constant 0 : index
    %get3A_1 = vector.load %arg0[%get3A, %get3A_0] : memref<1024x256xf32, #tpu.memory_space<vmem>>, vector<1024x256xf32>
    %mul3A = arith.mulf %get3A_1, %get3A_1 : vector<1024x256xf32>
    %reduce_sum3A = arith.constant dense<0.000000e+00> : vector<1024xf32>
    %reduce_sum3A_2 = vector.multi_reduction <add>, %mul3A, %reduce_sum3A [1] : vector<1024x256xf32> to vector<1024xf32>
    %broadcast_in_dim3A = vector.shape_cast %reduce_sum3A_2 : vector<1024xf32> to vector<1024x1xf32>
    %sqrt3A = math.sqrt %broadcast_in_dim3A : vector<1024x1xf32>
    %max3A = arith.constant 9.99999996E-13 : f32
    %max3A_3 = vector.broadcast %max3A : f32 to vector<1024x1xf32>
    %max3A_4 = arith.maximumf %sqrt3A, %max3A_3 : vector<1024x1xf32>
    %div3A = vector.broadcast %max3A_4 : vector<1024x1xf32> to vector<1024x256xf32>
    %div3A_5 = arith.divf %get3A_1, %div3A : vector<1024x256xf32>
    %swap3A = arith.constant 0 : index
    %swap3A_6 = arith.constant 0 : index
    %swap3A_7 = vector.load %arg13[%swap3A, %swap3A_6] : memref<1024x256xf32, #tpu.memory_space<vmem>>, vector<1024x256xf32>
    tpu.vector_store %arg13[%swap3A, %swap3A_6], %div3A_5 {strides = array<i32>} : memref<1024x256xf32, #tpu.memory_space<vmem>>, vector<1024x256xf32>,
    %get3A_8 = arith.constant 0 : index
    %get3A_9 = arith.constant 0 : index
    %get3A_10 = vector.load %arg1[%get3A_8, %get3A_9] : memref<1x256xf32, #tpu.memory_space<vmem>>, vector<1x256xf32>
    %get3A_11 = arith.constant 0 : index
    %get3A_12 = arith.constant 0 : index
    %get3A_13 = vector.load %arg2[%get3A_11, %get3A_12] : memref<1x256xf32, #tpu.memory_space<vmem>>, vector<1x256xf32>
    %reduce_sum3A_14 = arith.constant dense<0.000000e+00> : vector<1024xf32>
    %reduce_sum3A_15 = vector.multi_reduction <add>, %div3A_5, %reduce_sum3A_14 [1] : vector<1024x256xf32> to vector<1024xf32>
    %broadcast_in_dim3A_16 = vector.shape_cast %reduce_sum3A_15 : vector<1024xf32> to vector<1024x1xf32>
    %div3A_17 = arith.constant 2.560000e+02 : f32
    %div3A_18 = vector.broadcast %div3A_17 : f32 to vector<1024x1xf32>
    %div3A_19 = arith.divf %broadcast_in_dim3A_16, %div3A_18 : vector<1024x1xf32>
    %sub3A = vector.broadcast %div3A_19 : vector<1024x1xf32> to vector<1024x256xf32>
    %sub3A_20 = arith.subf %div3A_5, %sub3A : vector<1024x256xf32>
    %integer_pow3A = arith.mulf %sub3A_20, %sub3A_20 : vector<1024x256xf32>
    %reduce_sum3A_21 = arith.constant dense<0.000000e+00> : vector<1024xf32>
    %reduce_sum3A_22 = vector.multi_reduction <add>, %integer_pow3A, %reduce_sum3A_21 [1] : vector<1024x256xf32> to vector<1024xf32>
    %broadcast_in_dim3A_23 = vector.shape_cast %reduce_sum3A_22 : vector<1024xf32> to vector<1024x1xf32>
    %div3A_24 = arith.constant 2.560000e+02 : f32
    %div3A_25 = vector.broadcast %div3A_24 : f32 to vector<1024x1xf32>
    %div3A_26 = arith.divf %broadcast_in_dim3A_23, %div3A_25 : vector<1024x1xf32>
    %sub3A_27 = vector.broadcast %div3A_19 : vector<1024x1xf32> to vector<1024x256xf32>
    %sub3A_28 = arith.subf %div3A_5, %sub3A_27 : vector<1024x256xf32>
    %add3A = arith.constant 9.99999974E-6 : f32
    %add3A_29 = vector.broadcast %add3A : f32 to vector<1024x1xf32>
    %add3A_30 = arith.addf %div3A_26, %add3A_29 : vector<1024x1xf32>
    %sqrt3A_31 = math.sqrt %add3A_30 : vector<1024x1xf32>
    %div3A_32 = vector.broadcast %sqrt3A_31 : vector<1024x1xf32> to vector<1024x256xf32>
    %div3A_33 = arith.divf %sub3A_28, %div3A_32 : vector<1024x256xf32>
    %mul3A_34 = vector.broadcast %get3A_10 : vector<1x256xf32> to vector<1024x256xf32>
    %mul3A_35 = arith.mulf %div3A_33, %mul3A_34 : vector<1024x256xf32>
    %add3A_36 = vector.broadcast %get3A_13 : vector<1x256xf32> to vector<1024x256xf32>
    %add3A_37 = arith.addf %mul3A_35, %add3A_36 : vector<1024x256xf32>
    %get3A_38 = arith.constant 0 : index
    %get3A_39 = arith.constant 0 : index
    %get3A_40 = vector.load %arg3[%get3A_38, %get3A_39] : memref<256x256xf32, #tpu.memory_space<vmem>>, vector<256x256xf32>
    %dot_general3A = arith.constant dense<0.000000e+00> : vector<1024x256xf32>
    %dot_general3A_41 = tpu.matmul %add3A_37, %get3A_40, %dot_general3A {dimension_numbers = #tpu.dot_dimension_numbers<[1], [0], [0], [1], [0, 0, 1, 1], [], []>, transpose_lhs_hint = false} : vector<1024x256xf32>, vector<256x256xf32>, vector<1024x256xf32> -> vector<1024x256xf32>
    %get3A_42 = arith.constant 0 : index
    %get3A_43 = arith.constant 0 : index
    %get3A_44 = vector.load %arg4[%get3A_42, %get3A_43] : memref<1x256xf32, #tpu.memory_space<vmem>>, vector<1x256xf32>
    %add3A_45 = vector.broadcast %get3A_44 : vector<1x256xf32> to vector<1024x256xf32>
    %add3A_46 = arith.addf %dot_general3A_41, %add3A_45 : vector<1024x256xf32>
    %logistic3A = arith.negf %add3A_46 : vector<1024x256xf32>
    %logistic3A_47 = math.exp %logistic3A : vector<1024x256xf32>
    %logistic3A_48 = arith.constant 1.000000e+00 : f32
    %logistic3A_49 = vector.broadcast %logistic3A_48 : f32 to vector<1024x256xf32>
    %logistic3A_50 = arith.addf %logistic3A_49, %logistic3A_47 : vector<1024x256xf32>
    %logistic3A_51 = arith.divf %logistic3A_49, %logistic3A_50 : vector<1024x256xf32>
    %mul3A_52 = arith.mulf %add3A_46, %logistic3A_51 : vector<1024x256xf32>
    %get3A_53 = arith.constant 0 : index
    %get3A_54 = arith.constant 0 : index
    %get3A_55 = vector.load %arg5[%get3A_53, %get3A_54] : memref<1x256xf32, #tpu.memory_space<vmem>>, vector<1x256xf32>
    %get3A_56 = arith.constant 0 : index
    %get3A_57 = arith.constant 0 : index
    %get3A_58 = vector.load %arg6[%get3A_56, %get3A_57] : memref<1x256xf32, #tpu.memory_space<vmem>>, vector<1x256xf32>
    %reduce_sum3A_59 = arith.constant dense<0.000000e+00> : vector<1024xf32>
    %reduce_sum3A_60 = vector.multi_reduction <add>, %mul3A_52, %reduce_sum3A_59 [1] : vector<1024x256xf32> to vector<1024xf32>
    %broadcast_in_dim3A_61 = vector.shape_cast %reduce_sum3A_60 : vector<1024xf32> to vector<1024x1xf32>
    %div3A_62 = arith.constant 2.560000e+02 : f32
    %div3A_63 = vector.broadcast %div3A_62 : f32 to vector<1024x1xf32>
    %div3A_64 = arith.divf %broadcast_in_dim3A_61, %div3A_63 : vector<1024x1xf32>
    %sub3A_65 = vector.broadcast %div3A_64 : vector<1024x1xf32> to vector<1024x256xf32>
    %sub3A_66 = arith.subf %mul3A_52, %sub3A_65 : vector<1024x256xf32>
    %integer_pow3A_67 = arith.mulf %sub3A_66, %sub3A_66 : vector<1024x256xf32>
    %reduce_sum3A_68 = arith.constant dense<0.000000e+00> : vector<1024xf32>
    %reduce_sum3A_69 = vector.multi_reduction <add>, %integer_pow3A_67, %reduce_sum3A_68 [1] : vector<1024x256xf32> to vector<1024xf32>
    %broadcast_in_dim3A_70 = vector.shape_cast %reduce_sum3A_69 : vector<1024xf32> to vector<1024x1xf32>
    %div3A_71 = arith.constant 2.560000e+02 : f32
    %div3A_72 = vector.broadcast %div3A_71 : f32 to vector<1024x1xf32>
    %div3A_73 = arith.divf %broadcast_in_dim3A_70, %div3A_72 : vector<1024x1xf32>
    %sub3A_74 = vector.broadcast %div3A_64 : vector<1024x1xf32> to vector<1024x256xf32>
    %sub3A_75 = arith.subf %mul3A_52, %sub3A_74 : vector<1024x256xf32>
    %add3A_76 = arith.constant 9.99999974E-6 : f32
    %add3A_77 = vector.broadcast %add3A_76 : f32 to vector<1024x1xf32>
    %add3A_78 = arith.addf %div3A_73, %add3A_77 : vector<1024x1xf32>
    %sqrt3A_79 = math.sqrt %add3A_78 : vector<1024x1xf32>
    %div3A_80 = vector.broadcast %sqrt3A_79 : vector<1024x1xf32> to vector<1024x256xf32>
    %div3A_81 = arith.divf %sub3A_75, %div3A_80 : vector<1024x256xf32>
    %mul3A_82 = vector.broadcast %get3A_55 : vector<1x256xf32> to vector<1024x256xf32>
    %mul3A_83 = arith.mulf %div3A_81, %mul3A_82 : vector<1024x256xf32>
    %add3A_84 = vector.broadcast %get3A_58 : vector<1x256xf32> to vector<1024x256xf32>
    %add3A_85 = arith.addf %mul3A_83, %add3A_84 : vector<1024x256xf32>
    %get3A_86 = arith.constant 0 : index
    %get3A_87 = arith.constant 0 : index
    %get3A_88 = vector.load %arg7[%get3A_86, %get3A_87] : memref<256x256xf32, #tpu.memory_space<vmem>>, vector<256x256xf32>
    %dot_general3A_89 = arith.constant dense<0.000000e+00> : vector<1024x256xf32>
    %dot_general3A_90 = tpu.matmul %add3A_85, %get3A_88, %dot_general3A_89 {dimension_numbers = #tpu.dot_dimension_numbers<[1], [0], [0], [1], [0, 0, 1, 1], [], []>, transpose_lhs_hint = false} : vector<1024x256xf32>, vector<256x256xf32>, vector<1024x256xf32> -> vector<1024x256xf32>
    %get3A_91 = arith.constant 0 : index
    %get3A_92 = arith.constant 0 : index
    %get3A_93 = vector.load %arg8[%get3A_91, %get3A_92] : memref<1x256xf32, #tpu.memory_space<vmem>>, vector<1x256xf32>
    %add3A_94 = vector.broadcast %get3A_93 : vector<1x256xf32> to vector<1024x256xf32>
    %add3A_95 = arith.addf %dot_general3A_90, %add3A_94 : vector<1024x256xf32>
    %logistic3A_96 = arith.negf %add3A_95 : vector<1024x256xf32>
    %logistic3A_97 = math.exp %logistic3A_96 : vector<1024x256xf32>
    %logistic3A_98 = arith.constant 1.000000e+00 : f32
    %logistic3A_99 = vector.broadcast %logistic3A_98 : f32 to vector<1024x256xf32>
    %logistic3A_100 = arith.addf %logistic3A_99, %logistic3A_97 : vector<1024x256xf32>
    %logistic3A_101 = arith.divf %logistic3A_99, %logistic3A_100 : vector<1024x256xf32>
    %mul3A_102 = arith.mulf %add3A_95, %logistic3A_101 : vector<1024x256xf32>
    %get3A_103 = arith.constant 0 : index
    %get3A_104 = arith.constant 0 : index
    %get3A_105 = vector.load %arg9[%get3A_103, %get3A_104] : memref<1x256xf32, #tpu.memory_space<vmem>>, vector<1x256xf32>
    %get3A_106 = arith.constant 0 : index
    %get3A_107 = arith.constant 0 : index
    %get3A_108 = vector.load %arg10[%get3A_106, %get3A_107] : memref<1x256xf32, #tpu.memory_space<vmem>>, vector<1x256xf32>
    %reduce_sum3A_109 = arith.constant dense<0.000000e+00> : vector<1024xf32>
    %reduce_sum3A_110 = vector.multi_reduction <add>, %mul3A_102, %reduce_sum3A_109 [1] : vector<1024x256xf32> to vector<1024xf32>
    %broadcast_in_dim3A_111 = vector.shape_cast %reduce_sum3A_110 : vector<1024xf32> to vector<1024x1xf32>
    %div3A_112 = arith.constant 2.560000e+02 : f32
    %div3A_113 = vector.broadcast %div3A_112 : f32 to vector<1024x1xf32>
    %div3A_114 = arith.divf %broadcast_in_dim3A_111, %div3A_113 : vector<1024x1xf32>
    %sub3A_115 = vector.broadcast %div3A_114 : vector<1024x1xf32> to vector<1024x256xf32>
    %sub3A_116 = arith.subf %mul3A_102, %sub3A_115 : vector<1024x256xf32>
    %integer_pow3A_117 = arith.mulf %sub3A_116, %sub3A_116 : vector<1024x256xf32>
    %reduce_sum3A_118 = arith.constant dense<0.000000e+00> : vector<1024xf32>
    %reduce_sum3A_119 = vector.multi_reduction <add>, %integer_pow3A_117, %reduce_sum3A_118 [1] : vector<1024x256xf32> to vector<1024xf32>
    %broadcast_in_dim3A_120 = vector.shape_cast %reduce_sum3A_119 : vector<1024xf32> to vector<1024x1xf32>
    %div3A_121 = arith.constant 2.560000e+02 : f32
    %div3A_122 = vector.broadcast %div3A_121 : f32 to vector<1024x1xf32>
    %div3A_123 = arith.divf %broadcast_in_dim3A_120, %div3A_122 : vector<1024x1xf32>
    %sub3A_124 = vector.broadcast %div3A_114 : vector<1024x1xf32> to vector<1024x256xf32>
    %sub3A_125 = arith.subf %mul3A_102, %sub3A_124 : vector<1024x256xf32>
    %add3A_126 = arith.constant 9.99999974E-6 : f32
    %add3A_127 = vector.broadcast %add3A_126 : f32 to vector<1024x1xf32>
    %add3A_128 = arith.addf %div3A_123, %add3A_127 : vector<1024x1xf32>
    %sqrt3A_129 = math.sqrt %add3A_128 : vector<1024x1xf32>
    %div3A_130 = vector.broadcast %sqrt3A_129 : vector<1024x1xf32> to vector<1024x256xf32>
    %div3A_131 = arith.divf %sub3A_125, %div3A_130 : vector<1024x256xf32>
    %mul3A_132 = vector.broadcast %get3A_105 : vector<1x256xf32> to vector<1024x256xf32>
    %mul3A_133 = arith.mulf %div3A_131, %mul3A_132 : vector<1024x256xf32>
    %add3A_134 = vector.broadcast %get3A_108 : vector<1x256xf32> to vector<1024x256xf32>
    %add3A_135 = arith.addf %mul3A_133, %add3A_134 : vector<1024x256xf32>
    %get3A_136 = arith.constant 0 : index
    %get3A_137 = arith.constant 0 : index
    %get3A_138 = vector.load %arg11[%get3A_136, %get3A_137] : memref<256x768xf32, #tpu.memory_space<vmem>>, vector<256x768xf32>
    %dot_general3A_139 = arith.constant dense<0.000000e+00> : vector<1024x768xf32>
    %dot_general3A_140 = tpu.matmul %add3A_135, %get3A_138, %dot_general3A_139 {dimension_numbers = #tpu.dot_dimension_numbers<[1], [0], [0], [1], [0, 0, 1, 1], [], []>, transpose_lhs_hint = false} : vector<1024x256xf32>, vector<256x768xf32>, vector<1024x768xf32> -> vector<1024x768xf32>
    %get3A_141 = arith.constant 0 : index
    %get3A_142 = arith.constant 0 : index
    %get3A_143 = vector.load %arg12[%get3A_141, %get3A_142] : memref<1x768xf32, #tpu.memory_space<vmem>>, vector<1x768xf32>
    %add3A_144 = vector.broadcast %get3A_143 : vector<1x768xf32> to vector<1024x768xf32>
    %add3A_145 = arith.addf %dot_general3A_140, %add3A_144 : vector<1024x768xf32>
    %swap3A_146 = arith.constant 0 : index
    %swap3A_147 = arith.constant 0 : index
    %swap3A_148 = vector.load %arg14[%swap3A_146, %swap3A_147] : memref<1024x768xf32, #tpu.memory_space<vmem>>, vector<1024x768xf32>
    tpu.vector_store %arg14[%swap3A_146, %swap3A_147], %add3A_145 {strides = array<i32>} : memref<1024x768xf32, #tpu.memory_space<vmem>>, vector<1024x768xf32>,
    %mul3A_149 = arith.mulf %add3A_145, %add3A_145 : vector<1024x768xf32>
    %reduce_sum3A_150 = arith.constant dense<0.000000e+00> : vector<1024xf32>
    %reduce_sum3A_151 = vector.multi_reduction <add>, %mul3A_149, %reduce_sum3A_150 [1] : vector<1024x768xf32> to vector<1024xf32>
    %broadcast_in_dim3A_152 = vector.shape_cast %reduce_sum3A_151 : vector<1024xf32> to vector<1024x1xf32>
    %swap3A_153 = arith.constant 0 : index
    %swap3A_154 = arith.constant 0 : index
    %swap3A_155 = vector.load %arg16[%swap3A_153, %swap3A_154] : memref<1024x1xf32, #tpu.memory_space<vmem>>, vector<1024x1xf32>
    tpu.vector_store %arg16[%swap3A_153, %swap3A_154], %broadcast_in_dim3A_152 {strides = array<i32>} : memref<1024x1xf32, #tpu.memory_space<vmem>>, vector<1024x1xf32>,
    %sqrt3A_156 = math.sqrt %broadcast_in_dim3A_152 : vector<1024x1xf32>
    %max3A_157 = arith.constant 9.99999997E-7 : f32
    %max3A_158 = vector.broadcast %max3A_157 : f32 to vector<1024x1xf32>
    %max3A_159 = arith.maximumf %sqrt3A_156, %max3A_158 : vector<1024x1xf32>
    %broadcast_in_dim3A_160 = vector.shape_cast %max3A_159 : vector<1024x1xf32> to vector<1024x1xf32>
    %broadcast_in_dim3A_161 = vector.broadcast %broadcast_in_dim3A_160 : vector<1024x1xf32> to vector<1024x128xf32>
    %concatenate3A = tpu.concatenate %add3A_145, %broadcast_in_dim3A_161 in 1 : vector<1024x768xf32>, vector<1024x128xf32> -> vector<1024x896xf32>
    %swap3A_162 = arith.constant 0 : index
    %swap3A_163 = arith.constant 0 : index
    %swap3A_164 = vector.load %arg15[%swap3A_162, %swap3A_163] : memref<1024x896xf32, #tpu.memory_space<vmem>>, vector<1024x896xf32>
    tpu.vector_store %arg15[%swap3A_162, %swap3A_163], %concatenate3A {strides = array<i32>} : memref<1024x896xf32, #tpu.memory_space<vmem>>, vector<1024x896xf32>,
    return
  }
}

module attributes {stable_mosaic.version = 14 : i64} {
  func.func @body(%arg0: i32, %arg1: memref<512x768xf32, #tpu.memory_space<vmem>>, %arg2: memref<1x768xf32, #tpu.memory_space<vmem>>, %arg3: memref<1x768xf32, #tpu.memory_space<vmem>>, %arg4: memref<768x256xf32, #tpu.memory_space<vmem>>, %arg5: memref<1x256xf32, #tpu.memory_space<vmem>>, %arg6: memref<1x256xf32, #tpu.memory_space<vmem>>, %arg7: memref<1x256xf32, #tpu.memory_space<vmem>>, %arg8: memref<256x256xf32, #tpu.memory_space<vmem>>, %arg9: memref<1x256xf32, #tpu.memory_space<vmem>>, %arg10: memref<1x256xf32, #tpu.memory_space<vmem>>, %arg11: memref<1x256xf32, #tpu.memory_space<vmem>>, %arg12: memref<256x256xf32, #tpu.memory_space<vmem>>, %arg13: memref<1x256xf32, #tpu.memory_space<vmem>>, %arg14: memref<1024x256xf32, #tpu.memory_space<vmem>>, %arg15: memref<1024x896xf32, #tpu.memory_space<vmem>>, %arg16: memref<18432x256xf32, #tpu.memory_space<any>>, %arg17: memref<512x256xf32, #tpu.memory_space<vmem>>, %arg18: memref<512x1xi32, #tpu.memory_space<vmem>>, %arg19: memref<1x1024xf32, #tpu.memory_space<vmem>>, %arg20: memref<1x1024xf32, #tpu.memory_space<vmem>>, %arg21: memref<1x1xf32, #tpu.memory_space<vmem>>, %arg22: memref<1x1xf32, #tpu.memory_space<vmem>>, %arg23: memref<1x1xf32, #tpu.memory_space<vmem>>, %arg24: memref<1x1xf32, #tpu.memory_space<vmem>>, %arg25: memref<1x1024xf32, #tpu.memory_space<vmem>>, %arg26: memref<1x1024xf32, #tpu.memory_space<vmem>>, %arg27: memref<1x1xf32, #tpu.memory_space<vmem>>, %arg28: memref<1x1xf32, #tpu.memory_space<vmem>>, %arg29: memref<1x1xf32, #tpu.memory_space<vmem>>, %arg30: memref<1x1xf32, #tpu.memory_space<vmem>>) attributes {dimension_semantics = [#tpu.dimension_semantics<arbitrary>], iteration_bounds = array<i64: 18>, scalar_prefetch = 0 : i64, scratch_operands = 6 : i64, tpu.core_type = #tpu.core_type<tc>, window_params = [{transform_indices = @transform_0, window_bounds = array<i64: 512, 768>}, {pipeline_mode = #tpu.pipeline_mode<synchronous>, transform_indices = @transform_1, window_bounds = array<i64: 1, 768>}, {pipeline_mode = #tpu.pipeline_mode<synchronous>, transform_indices = @transform_2, window_bounds = array<i64: 1, 768>}, {pipeline_mode = #tpu.pipeline_mode<synchronous>, transform_indices = @transform_3, window_bounds = array<i64: 768, 256>}, {pipeline_mode = #tpu.pipeline_mode<synchronous>, transform_indices = @transform_4, window_bounds = array<i64: 1, 256>}, {pipeline_mode = #tpu.pipeline_mode<synchronous>, transform_indices = @transform_5, window_bounds = array<i64: 1, 256>}, {pipeline_mode = #tpu.pipeline_mode<synchronous>, transform_indices = @transform_6, window_bounds = array<i64: 1, 256>}, {pipeline_mode = #tpu.pipeline_mode<synchronous>, transform_indices = @transform_7, window_bounds = array<i64: 256, 256>}, {pipeline_mode = #tpu.pipeline_mode<synchronous>, transform_indices = @transform_8, window_bounds = array<i64: 1, 256>}, {pipeline_mode = #tpu.pipeline_mode<synchronous>, transform_indices = @transform_9, window_bounds = array<i64: 1, 256>}, {pipeline_mode = #tpu.pipeline_mode<synchronous>, transform_indices = @transform_10, window_bounds = array<i64: 1, 256>}, {pipeline_mode = #tpu.pipeline_mode<synchronous>, transform_indices = @transform_11, window_bounds = array<i64: 256, 256>}, {pipeline_mode = #tpu.pipeline_mode<synchronous>, transform_indices = @transform_12, window_bounds = array<i64: 1, 256>}, {pipeline_mode = #tpu.pipeline_mode<synchronous>, transform_indices = @transform_13, window_bounds = array<i64: 1024, 256>}, {pipeline_mode = #tpu.pipeline_mode<synchronous>, transform_indices = @transform_14, window_bounds = array<i64: 1024, 896>}, {}, {transform_indices = @transform_16, window_bounds = array<i64: 512, 256>}, {transform_indices = @transform_17, window_bounds = array<i64: 512, 1>}, {pipeline_mode = #tpu.pipeline_mode<synchronous>, transform_indices = @transform_18, window_bounds = array<i64: 1, 1024>}, {pipeline_mode = #tpu.pipeline_mode<synchronous>, transform_indices = @transform_19, window_bounds = array<i64: 1, 1024>}, {pipeline_mode = #tpu.pipeline_mode<synchronous>, transform_indices = @transform_20, window_bounds = array<i64: 1, 1>}, {pipeline_mode = #tpu.pipeline_mode<synchronous>, transform_indices = @transform_21, window_bounds = array<i64: 1, 1>}, {pipeline_mode = #tpu.pipeline_mode<synchronous>, transform_indices = @transform_22, window_bounds = array<i64: 1, 1>}, {pipeline_mode = #tpu.pipeline_mode<synchronous>, transform_indices = @transform_23, window_bounds = array<i64: 1, 1>}]} {
    %eq3A = arith.constant 0 : i32
    %eq3A_0 = arith.cmpi eq, %arg0, %eq3A : i32
    %convert_element_type3A = arith.extui %eq3A_0 : i1 to i32
    %cond3A = arith.constant 0 : i32
    %cond3A_1 = arith.cmpi ne, %convert_element_type3A, %cond3A : i32
    scf.if %cond3A_1 {
      %broadcast_in_dim3A_282 = arith.constant 0.000000e+00 : f32
      %broadcast_in_dim3A_283 = vector.broadcast %broadcast_in_dim3A_282 : f32 to vector<1x1024xf32>
      %swap3A_284 = arith.constant 0 : index
      %swap3A_285 = arith.constant 0 : index
      %swap3A_286 = vector.load %arg25[%swap3A_284, %swap3A_285] : memref<1x1024xf32, #tpu.memory_space<vmem>>, vector<1x1024xf32>
      tpu.vector_store %arg25[%swap3A_284, %swap3A_285], %broadcast_in_dim3A_283 {strides = array<i32>} : memref<1x1024xf32, #tpu.memory_space<vmem>>, vector<1x1024xf32>,
      %broadcast_in_dim3A_287 = arith.constant 0.000000e+00 : f32
      %broadcast_in_dim3A_288 = vector.broadcast %broadcast_in_dim3A_287 : f32 to vector<1x1024xf32>
      %swap3A_289 = arith.constant 0 : index
      %swap3A_290 = arith.constant 0 : index
      %swap3A_291 = vector.load %arg26[%swap3A_289, %swap3A_290] : memref<1x1024xf32, #tpu.memory_space<vmem>>, vector<1x1024xf32>
      tpu.vector_store %arg26[%swap3A_289, %swap3A_290], %broadcast_in_dim3A_288 {strides = array<i32>} : memref<1x1024xf32, #tpu.memory_space<vmem>>, vector<1x1024xf32>,
      %broadcast_in_dim3A_292 = arith.constant 0.000000e+00 : f32
      %broadcast_in_dim3A_293 = vector.broadcast %broadcast_in_dim3A_292 : f32 to vector<1x1xf32>
      %swap3A_294 = arith.constant 0 : index
      %swap3A_295 = arith.constant 0 : index
      %swap3A_296 = vector.load %arg27[%swap3A_294, %swap3A_295] : memref<1x1xf32, #tpu.memory_space<vmem>>, vector<1x1xf32>
      tpu.vector_store %arg27[%swap3A_294, %swap3A_295], %broadcast_in_dim3A_293 {strides = array<i32>} : memref<1x1xf32, #tpu.memory_space<vmem>>, vector<1x1xf32>,
      %broadcast_in_dim3A_297 = arith.constant 0.000000e+00 : f32
      %broadcast_in_dim3A_298 = vector.broadcast %broadcast_in_dim3A_297 : f32 to vector<1x1xf32>
      %swap3A_299 = arith.constant 0 : index
      %swap3A_300 = arith.constant 0 : index
      %swap3A_301 = vector.load %arg28[%swap3A_299, %swap3A_300] : memref<1x1xf32, #tpu.memory_space<vmem>>, vector<1x1xf32>
      tpu.vector_store %arg28[%swap3A_299, %swap3A_300], %broadcast_in_dim3A_298 {strides = array<i32>} : memref<1x1xf32, #tpu.memory_space<vmem>>, vector<1x1xf32>,
      %broadcast_in_dim3A_302 = arith.constant 0.000000e+00 : f32
      %broadcast_in_dim3A_303 = vector.broadcast %broadcast_in_dim3A_302 : f32 to vector<1x1xf32>
      %swap3A_304 = arith.constant 0 : index
      %swap3A_305 = arith.constant 0 : index
      %swap3A_306 = vector.load %arg29[%swap3A_304, %swap3A_305] : memref<1x1xf32, #tpu.memory_space<vmem>>, vector<1x1xf32>
      tpu.vector_store %arg29[%swap3A_304, %swap3A_305], %broadcast_in_dim3A_303 {strides = array<i32>} : memref<1x1xf32, #tpu.memory_space<vmem>>, vector<1x1xf32>,
      %broadcast_in_dim3A_307 = arith.constant 0.000000e+00 : f32
      %broadcast_in_dim3A_308 = vector.broadcast %broadcast_in_dim3A_307 : f32 to vector<1x1xf32>
      %swap3A_309 = arith.constant 0 : index
      %swap3A_310 = arith.constant 0 : index
      %swap3A_311 = vector.load %arg30[%swap3A_309, %swap3A_310] : memref<1x1xf32, #tpu.memory_space<vmem>>, vector<1x1xf32>
      tpu.vector_store %arg30[%swap3A_309, %swap3A_310], %broadcast_in_dim3A_308 {strides = array<i32>} : memref<1x1xf32, #tpu.memory_space<vmem>>, vector<1x1xf32>,
      %broadcast_in_dim3A_312 = arith.constant 0.000000e+00 : f32
      %broadcast_in_dim3A_313 = vector.broadcast %broadcast_in_dim3A_312 : f32 to vector<1x1024xf32>
      %swap3A_314 = arith.constant 0 : index
      %swap3A_315 = arith.constant 0 : index
      %swap3A_316 = vector.load %arg19[%swap3A_314, %swap3A_315] : memref<1x1024xf32, #tpu.memory_space<vmem>>, vector<1x1024xf32>
      tpu.vector_store %arg19[%swap3A_314, %swap3A_315], %broadcast_in_dim3A_313 {strides = array<i32>} : memref<1x1024xf32, #tpu.memory_space<vmem>>, vector<1x1024xf32>,
    } else {
    }
    %get3A = arith.constant 0 : index
    %get3A_2 = arith.constant 0 : index
    %get3A_3 = vector.load %arg1[%get3A, %get3A_2] : memref<512x768xf32, #tpu.memory_space<vmem>>, vector<512x768xf32>
    %get3A_4 = arith.constant 0 : index
    %get3A_5 = arith.constant 0 : index
    %get3A_6 = vector.load %arg2[%get3A_4, %get3A_5] : memref<1x768xf32, #tpu.memory_space<vmem>>, vector<1x768xf32>
    %get3A_7 = arith.constant 0 : index
    %get3A_8 = arith.constant 0 : index
    %get3A_9 = vector.load %arg3[%get3A_7, %get3A_8] : memref<1x768xf32, #tpu.memory_space<vmem>>, vector<1x768xf32>
    %reduce_sum3A = arith.constant dense<0.000000e+00> : vector<512xf32>
    %reduce_sum3A_10 = vector.multi_reduction <add>, %get3A_3, %reduce_sum3A [1] : vector<512x768xf32> to vector<512xf32>
    %broadcast_in_dim3A = vector.shape_cast %reduce_sum3A_10 : vector<512xf32> to vector<512x1xf32>
    %div3A = arith.constant 7.680000e+02 : f32
    %div3A_11 = vector.broadcast %div3A : f32 to vector<512x1xf32>
    %div3A_12 = arith.divf %broadcast_in_dim3A, %div3A_11 : vector<512x1xf32>
    %sub3A = vector.broadcast %div3A_12 : vector<512x1xf32> to vector<512x768xf32>
    %sub3A_13 = arith.subf %get3A_3, %sub3A : vector<512x768xf32>
    %integer_pow3A = arith.mulf %sub3A_13, %sub3A_13 : vector<512x768xf32>
    %reduce_sum3A_14 = arith.constant dense<0.000000e+00> : vector<512xf32>
    %reduce_sum3A_15 = vector.multi_reduction <add>, %integer_pow3A, %reduce_sum3A_14 [1] : vector<512x768xf32> to vector<512xf32>
    %broadcast_in_dim3A_16 = vector.shape_cast %reduce_sum3A_15 : vector<512xf32> to vector<512x1xf32>
    %div3A_17 = arith.constant 7.680000e+02 : f32
    %div3A_18 = vector.broadcast %div3A_17 : f32 to vector<512x1xf32>
    %div3A_19 = arith.divf %broadcast_in_dim3A_16, %div3A_18 : vector<512x1xf32>
    %sub3A_20 = vector.broadcast %div3A_12 : vector<512x1xf32> to vector<512x768xf32>
    %sub3A_21 = arith.subf %get3A_3, %sub3A_20 : vector<512x768xf32>
    %add3A = arith.constant 9.99999974E-6 : f32
    %add3A_22 = vector.broadcast %add3A : f32 to vector<512x1xf32>
    %add3A_23 = arith.addf %div3A_19, %add3A_22 : vector<512x1xf32>
    %sqrt3A = math.sqrt %add3A_23 : vector<512x1xf32>
    %div3A_24 = vector.broadcast %sqrt3A : vector<512x1xf32> to vector<512x768xf32>
    %div3A_25 = arith.divf %sub3A_21, %div3A_24 : vector<512x768xf32>
    %mul3A = vector.broadcast %get3A_6 : vector<1x768xf32> to vector<512x768xf32>
    %mul3A_26 = arith.mulf %div3A_25, %mul3A : vector<512x768xf32>
    %add3A_27 = vector.broadcast %get3A_9 : vector<1x768xf32> to vector<512x768xf32>
    %add3A_28 = arith.addf %mul3A_26, %add3A_27 : vector<512x768xf32>
    %get3A_29 = arith.constant 0 : index
    %get3A_30 = arith.constant 0 : index
    %get3A_31 = vector.load %arg4[%get3A_29, %get3A_30] : memref<768x256xf32, #tpu.memory_space<vmem>>, vector<768x256xf32>
    %dot_general3A = arith.constant dense<0.000000e+00> : vector<512x256xf32>
    %dot_general3A_32 = tpu.matmul %add3A_28, %get3A_31, %dot_general3A {dimension_numbers = #tpu.dot_dimension_numbers<[1], [0], [0], [1], [0, 0, 1, 1], [], []>, transpose_lhs_hint = false} : vector<512x768xf32>, vector<768x256xf32>, vector<512x256xf32> -> vector<512x256xf32>
    %get3A_33 = arith.constant 0 : index
    %get3A_34 = arith.constant 0 : index
    %get3A_35 = vector.load %arg5[%get3A_33, %get3A_34] : memref<1x256xf32, #tpu.memory_space<vmem>>, vector<1x256xf32>
    %add3A_36 = vector.broadcast %get3A_35 : vector<1x256xf32> to vector<512x256xf32>
    %add3A_37 = arith.addf %dot_general3A_32, %add3A_36 : vector<512x256xf32>
    %logistic3A = arith.negf %add3A_37 : vector<512x256xf32>
    %logistic3A_38 = math.exp %logistic3A : vector<512x256xf32>
    %logistic3A_39 = arith.constant 1.000000e+00 : f32
    %logistic3A_40 = vector.broadcast %logistic3A_39 : f32 to vector<512x256xf32>
    %logistic3A_41 = arith.addf %logistic3A_40, %logistic3A_38 : vector<512x256xf32>
    %logistic3A_42 = arith.divf %logistic3A_40, %logistic3A_41 : vector<512x256xf32>
    %mul3A_43 = arith.mulf %add3A_37, %logistic3A_42 : vector<512x256xf32>
    %get3A_44 = arith.constant 0 : index
    %get3A_45 = arith.constant 0 : index
    %get3A_46 = vector.load %arg6[%get3A_44, %get3A_45] : memref<1x256xf32, #tpu.memory_space<vmem>>, vector<1x256xf32>
    %get3A_47 = arith.constant 0 : index
    %get3A_48 = arith.constant 0 : index
    %get3A_49 = vector.load %arg7[%get3A_47, %get3A_48] : memref<1x256xf32, #tpu.memory_space<vmem>>, vector<1x256xf32>
    %reduce_sum3A_50 = arith.constant dense<0.000000e+00> : vector<512xf32>
    %reduce_sum3A_51 = vector.multi_reduction <add>, %mul3A_43, %reduce_sum3A_50 [1] : vector<512x256xf32> to vector<512xf32>
    %broadcast_in_dim3A_52 = vector.shape_cast %reduce_sum3A_51 : vector<512xf32> to vector<512x1xf32>
    %div3A_53 = arith.constant 2.560000e+02 : f32
    %div3A_54 = vector.broadcast %div3A_53 : f32 to vector<512x1xf32>
    %div3A_55 = arith.divf %broadcast_in_dim3A_52, %div3A_54 : vector<512x1xf32>
    %sub3A_56 = vector.broadcast %div3A_55 : vector<512x1xf32> to vector<512x256xf32>
    %sub3A_57 = arith.subf %mul3A_43, %sub3A_56 : vector<512x256xf32>
    %integer_pow3A_58 = arith.mulf %sub3A_57, %sub3A_57 : vector<512x256xf32>
    %reduce_sum3A_59 = arith.constant dense<0.000000e+00> : vector<512xf32>
    %reduce_sum3A_60 = vector.multi_reduction <add>, %integer_pow3A_58, %reduce_sum3A_59 [1] : vector<512x256xf32> to vector<512xf32>
    %broadcast_in_dim3A_61 = vector.shape_cast %reduce_sum3A_60 : vector<512xf32> to vector<512x1xf32>
    %div3A_62 = arith.constant 2.560000e+02 : f32
    %div3A_63 = vector.broadcast %div3A_62 : f32 to vector<512x1xf32>
    %div3A_64 = arith.divf %broadcast_in_dim3A_61, %div3A_63 : vector<512x1xf32>
    %sub3A_65 = vector.broadcast %div3A_55 : vector<512x1xf32> to vector<512x256xf32>
    %sub3A_66 = arith.subf %mul3A_43, %sub3A_65 : vector<512x256xf32>
    %add3A_67 = arith.constant 9.99999974E-6 : f32
    %add3A_68 = vector.broadcast %add3A_67 : f32 to vector<512x1xf32>
    %add3A_69 = arith.addf %div3A_64, %add3A_68 : vector<512x1xf32>
    %sqrt3A_70 = math.sqrt %add3A_69 : vector<512x1xf32>
    %div3A_71 = vector.broadcast %sqrt3A_70 : vector<512x1xf32> to vector<512x256xf32>
    %div3A_72 = arith.divf %sub3A_66, %div3A_71 : vector<512x256xf32>
    %mul3A_73 = vector.broadcast %get3A_46 : vector<1x256xf32> to vector<512x256xf32>
    %mul3A_74 = arith.mulf %div3A_72, %mul3A_73 : vector<512x256xf32>
    %add3A_75 = vector.broadcast %get3A_49 : vector<1x256xf32> to vector<512x256xf32>
    %add3A_76 = arith.addf %mul3A_74, %add3A_75 : vector<512x256xf32>
    %get3A_77 = arith.constant 0 : index
    %get3A_78 = arith.constant 0 : index
    %get3A_79 = vector.load %arg8[%get3A_77, %get3A_78] : memref<256x256xf32, #tpu.memory_space<vmem>>, vector<256x256xf32>
    %dot_general3A_80 = arith.constant dense<0.000000e+00> : vector<512x256xf32>
    %dot_general3A_81 = tpu.matmul %add3A_76, %get3A_79, %dot_general3A_80 {dimension_numbers = #tpu.dot_dimension_numbers<[1], [0], [0], [1], [0, 0, 1, 1], [], []>, transpose_lhs_hint = false} : vector<512x256xf32>, vector<256x256xf32>, vector<512x256xf32> -> vector<512x256xf32>
    %get3A_82 = arith.constant 0 : index
    %get3A_83 = arith.constant 0 : index
    %get3A_84 = vector.load %arg9[%get3A_82, %get3A_83] : memref<1x256xf32, #tpu.memory_space<vmem>>, vector<1x256xf32>
    %add3A_85 = vector.broadcast %get3A_84 : vector<1x256xf32> to vector<512x256xf32>
    %add3A_86 = arith.addf %dot_general3A_81, %add3A_85 : vector<512x256xf32>
    %logistic3A_87 = arith.negf %add3A_86 : vector<512x256xf32>
    %logistic3A_88 = math.exp %logistic3A_87 : vector<512x256xf32>
    %logistic3A_89 = arith.constant 1.000000e+00 : f32
    %logistic3A_90 = vector.broadcast %logistic3A_89 : f32 to vector<512x256xf32>
    %logistic3A_91 = arith.addf %logistic3A_90, %logistic3A_88 : vector<512x256xf32>
    %logistic3A_92 = arith.divf %logistic3A_90, %logistic3A_91 : vector<512x256xf32>
    %mul3A_93 = arith.mulf %add3A_86, %logistic3A_92 : vector<512x256xf32>
    %get3A_94 = arith.constant 0 : index
    %get3A_95 = arith.constant 0 : index
    %get3A_96 = vector.load %arg10[%get3A_94, %get3A_95] : memref<1x256xf32, #tpu.memory_space<vmem>>, vector<1x256xf32>
    %get3A_97 = arith.constant 0 : index
    %get3A_98 = arith.constant 0 : index
    %get3A_99 = vector.load %arg11[%get3A_97, %get3A_98] : memref<1x256xf32, #tpu.memory_space<vmem>>, vector<1x256xf32>
    %reduce_sum3A_100 = arith.constant dense<0.000000e+00> : vector<512xf32>
    %reduce_sum3A_101 = vector.multi_reduction <add>, %mul3A_93, %reduce_sum3A_100 [1] : vector<512x256xf32> to vector<512xf32>
    %broadcast_in_dim3A_102 = vector.shape_cast %reduce_sum3A_101 : vector<512xf32> to vector<512x1xf32>
    %div3A_103 = arith.constant 2.560000e+02 : f32
    %div3A_104 = vector.broadcast %div3A_103 : f32 to vector<512x1xf32>
    %div3A_105 = arith.divf %broadcast_in_dim3A_102, %div3A_104 : vector<512x1xf32>
    %sub3A_106 = vector.broadcast %div3A_105 : vector<512x1xf32> to vector<512x256xf32>
    %sub3A_107 = arith.subf %mul3A_93, %sub3A_106 : vector<512x256xf32>
    %integer_pow3A_108 = arith.mulf %sub3A_107, %sub3A_107 : vector<512x256xf32>
    %reduce_sum3A_109 = arith.constant dense<0.000000e+00> : vector<512xf32>
    %reduce_sum3A_110 = vector.multi_reduction <add>, %integer_pow3A_108, %reduce_sum3A_109 [1] : vector<512x256xf32> to vector<512xf32>
    %broadcast_in_dim3A_111 = vector.shape_cast %reduce_sum3A_110 : vector<512xf32> to vector<512x1xf32>
    %div3A_112 = arith.constant 2.560000e+02 : f32
    %div3A_113 = vector.broadcast %div3A_112 : f32 to vector<512x1xf32>
    %div3A_114 = arith.divf %broadcast_in_dim3A_111, %div3A_113 : vector<512x1xf32>
    %sub3A_115 = vector.broadcast %div3A_105 : vector<512x1xf32> to vector<512x256xf32>
    %sub3A_116 = arith.subf %mul3A_93, %sub3A_115 : vector<512x256xf32>
    %add3A_117 = arith.constant 9.99999974E-6 : f32
    %add3A_118 = vector.broadcast %add3A_117 : f32 to vector<512x1xf32>
    %add3A_119 = arith.addf %div3A_114, %add3A_118 : vector<512x1xf32>
    %sqrt3A_120 = math.sqrt %add3A_119 : vector<512x1xf32>
    %div3A_121 = vector.broadcast %sqrt3A_120 : vector<512x1xf32> to vector<512x256xf32>
    %div3A_122 = arith.divf %sub3A_116, %div3A_121 : vector<512x256xf32>
    %mul3A_123 = vector.broadcast %get3A_96 : vector<1x256xf32> to vector<512x256xf32>
    %mul3A_124 = arith.mulf %div3A_122, %mul3A_123 : vector<512x256xf32>
    %add3A_125 = vector.broadcast %get3A_99 : vector<1x256xf32> to vector<512x256xf32>
    %add3A_126 = arith.addf %mul3A_124, %add3A_125 : vector<512x256xf32>
    %get3A_127 = arith.constant 0 : index
    %get3A_128 = arith.constant 0 : index
    %get3A_129 = vector.load %arg12[%get3A_127, %get3A_128] : memref<256x256xf32, #tpu.memory_space<vmem>>, vector<256x256xf32>
    %dot_general3A_130 = arith.constant dense<0.000000e+00> : vector<512x256xf32>
    %dot_general3A_131 = tpu.matmul %add3A_126, %get3A_129, %dot_general3A_130 {dimension_numbers = #tpu.dot_dimension_numbers<[1], [0], [0], [1], [0, 0, 1, 1], [], []>, transpose_lhs_hint = false} : vector<512x256xf32>, vector<256x256xf32>, vector<512x256xf32> -> vector<512x256xf32>
    %get3A_132 = arith.constant 0 : index
    %get3A_133 = arith.constant 0 : index
    %get3A_134 = vector.load %arg13[%get3A_132, %get3A_133] : memref<1x256xf32, #tpu.memory_space<vmem>>, vector<1x256xf32>
    %add3A_135 = vector.broadcast %get3A_134 : vector<1x256xf32> to vector<512x256xf32>
    %add3A_136 = arith.addf %dot_general3A_131, %add3A_135 : vector<512x256xf32>
    %mul3A_137 = arith.mulf %add3A_136, %add3A_136 : vector<512x256xf32>
    %reduce_sum3A_138 = arith.constant dense<0.000000e+00> : vector<512xf32>
    %reduce_sum3A_139 = vector.multi_reduction <add>, %mul3A_137, %reduce_sum3A_138 [1] : vector<512x256xf32> to vector<512xf32>
    %broadcast_in_dim3A_140 = vector.shape_cast %reduce_sum3A_139 : vector<512xf32> to vector<512x1xf32>
    %sqrt3A_141 = math.sqrt %broadcast_in_dim3A_140 : vector<512x1xf32>
    %max3A = arith.constant 9.99999996E-13 : f32
    %max3A_142 = vector.broadcast %max3A : f32 to vector<512x1xf32>
    %max3A_143 = arith.maximumf %sqrt3A_141, %max3A_142 : vector<512x1xf32>
    %div3A_144 = vector.broadcast %max3A_143 : vector<512x1xf32> to vector<512x256xf32>
    %div3A_145 = arith.divf %add3A_136, %div3A_144 : vector<512x256xf32>
    %swap3A = arith.constant 0 : index
    %swap3A_146 = arith.constant 0 : index
    %swap3A_147 = vector.load %arg17[%swap3A, %swap3A_146] : memref<512x256xf32, #tpu.memory_space<vmem>>, vector<512x256xf32>
    tpu.vector_store %arg17[%swap3A, %swap3A_146], %div3A_145 {strides = array<i32>} : memref<512x256xf32, #tpu.memory_space<vmem>>, vector<512x256xf32>,
    %get3A_148 = arith.constant 0 : index
    %get3A_149 = arith.constant 0 : index
    %get3A_150 = vector.load %arg14[%get3A_148, %get3A_149] : memref<1024x256xf32, #tpu.memory_space<vmem>>, vector<1024x256xf32>
    %mul3A_151 = arith.mulf %div3A_145, %div3A_145 : vector<512x256xf32>
    %reduce_sum3A_152 = arith.constant dense<0.000000e+00> : vector<512xf32>
    %reduce_sum3A_153 = vector.multi_reduction <add>, %mul3A_151, %reduce_sum3A_152 [1] : vector<512x256xf32> to vector<512xf32>
    %broadcast_in_dim3A_154 = vector.shape_cast %reduce_sum3A_153 : vector<512xf32> to vector<512x1xf32>
    %sqrt3A_155 = math.sqrt %broadcast_in_dim3A_154 : vector<512x1xf32>
    %max3A_156 = arith.constant 9.99999996E-13 : f32
    %max3A_157 = vector.broadcast %max3A_156 : f32 to vector<512x1xf32>
    %max3A_158 = arith.maximumf %sqrt3A_155, %max3A_157 : vector<512x1xf32>
    %div3A_159 = vector.broadcast %max3A_158 : vector<512x1xf32> to vector<512x256xf32>
    %div3A_160 = arith.divf %div3A_145, %div3A_159 : vector<512x256xf32>
    %dot_general3A_161 = arith.constant dense<0.000000e+00> : vector<512x1024xf32>
    %dot_general3A_162 = tpu.matmul %div3A_160, %get3A_150, %dot_general3A_161 {dimension_numbers = #tpu.dot_dimension_numbers<[1], [1], [0], [0], [0, 0, 1, 0], [], []>, transpose_lhs_hint = false} : vector<512x256xf32>, vector<1024x256xf32>, vector<512x1024xf32> -> vector<512x1024xf32>
    %reduce_max3A = arith.constant dense<0xFF800000> : vector<512xf32>
    %reduce_max3A_163 = vector.multi_reduction <maximumf>, %dot_general3A_162, %reduce_max3A [1] : vector<512x1024xf32> to vector<512xf32>
    %broadcast_in_dim3A_164 = vector.shape_cast %reduce_max3A_163 : vector<512xf32> to vector<512x1xf32>
    %iota3A = tpu.iota {dimensions = array<i32: 1>} : vector<512x1024xi32>
    %eq3A_165 = vector.broadcast %broadcast_in_dim3A_164 : vector<512x1xf32> to vector<512x1024xf32>
    %eq3A_166 = arith.cmpf oeq, %dot_general3A_162, %eq3A_165 : vector<512x1024xf32>
    %jit3A = arith.constant 1024 : i32
    %broadcast_in_dim3A_167 = vector.broadcast %jit3A : i32 to vector<512x1024xi32>
    %select_n3A = arith.select %eq3A_166, %iota3A, %broadcast_in_dim3A_167 : vector<512x1024xi1>, vector<512x1024xi32>
    %reduce_min3A = arith.constant dense<2147483647> : vector<512xi32>
    %reduce_min3A_168 = vector.multi_reduction <minsi>, %select_n3A, %reduce_min3A [1] : vector<512x1024xi32> to vector<512xi32>
    %broadcast_in_dim3A_169 = vector.shape_cast %reduce_min3A_168 : vector<512xi32> to vector<512x1xi32>
    %swap3A_170 = arith.constant 0 : index
    %swap3A_171 = arith.constant 0 : index
    %swap3A_172 = vector.load %arg18[%swap3A_170, %swap3A_171] : memref<512x1xi32, #tpu.memory_space<vmem>>, vector<512x1xi32>
    tpu.vector_store %arg18[%swap3A_170, %swap3A_171], %broadcast_in_dim3A_169 {strides = array<i32>} : memref<512x1xi32, #tpu.memory_space<vmem>>, vector<512x1xi32>,
    %broadcast_in_dim3A_173 = vector.shape_cast %reduce_min3A_168 : vector<512xi32> to vector<512x1xi32>
    %eq3A_174 = vector.broadcast %broadcast_in_dim3A_173 : vector<512x1xi32> to vector<512x1024xi32>
    %eq3A_175 = arith.cmpi eq, %iota3A, %eq3A_174 : vector<512x1024xi32>
    %convert_element_type3A_176 = arith.extui %eq3A_175 : vector<512x1024xi1> to vector<512x1024xi32>
    %convert_element_type3A_177 = arith.sitofp %convert_element_type3A_176 : vector<512x1024xi32> to vector<512x1024xf32>
    %sub3A_178 = vector.broadcast %broadcast_in_dim3A_164 : vector<512x1xf32> to vector<512x1024xf32>
    %sub3A_179 = arith.subf %dot_general3A_162, %sub3A_178 : vector<512x1024xf32>
    %exp3A = math.exp %sub3A_179 : vector<512x1024xf32>
    %reduce_sum3A_180 = arith.constant dense<0.000000e+00> : vector<512xf32>
    %reduce_sum3A_181 = vector.multi_reduction <add>, %exp3A, %reduce_sum3A_180 [1] : vector<512x1024xf32> to vector<512xf32>
    %broadcast_in_dim3A_182 = vector.shape_cast %reduce_sum3A_181 : vector<512xf32> to vector<512x1xf32>
    %div3A_183 = vector.broadcast %broadcast_in_dim3A_182 : vector<512x1xf32> to vector<512x1024xf32>
    %div3A_184 = arith.divf %exp3A, %div3A_183 : vector<512x1024xf32>
    %reduce_sum3A_185 = arith.constant dense<0.000000e+00> : vector<1024xf32>
    %reduce_sum3A_186 = vector.multi_reduction <add>, %div3A_184, %reduce_sum3A_185 [0] : vector<512x1024xf32> to vector<1024xf32>
    %broadcast_in_dim3A_187 = vector.shape_cast %reduce_sum3A_186 : vector<1024xf32> to vector<1x1024xf32>
    %get3A_188 = arith.constant 0 : index
    %get3A_189 = arith.constant 0 : index
    %get3A_190 = vector.load %arg26[%get3A_188, %get3A_189] : memref<1x1024xf32, #tpu.memory_space<vmem>>, vector<1x1024xf32>
    %sub3A_191 = arith.subf %broadcast_in_dim3A_187, %get3A_190 : vector<1x1024xf32>
    %get3A_192 = arith.constant 0 : index
    %get3A_193 = arith.constant 0 : index
    %get3A_194 = vector.load %arg25[%get3A_192, %get3A_193] : memref<1x1024xf32, #tpu.memory_space<vmem>>, vector<1x1024xf32>
    %add3A_195 = arith.addf %get3A_194, %sub3A_191 : vector<1x1024xf32>
    %get3A_196 = arith.constant 0 : index
    %get3A_197 = arith.constant 0 : index
    %get3A_198 = vector.load %arg25[%get3A_196, %get3A_197] : memref<1x1024xf32, #tpu.memory_space<vmem>>, vector<1x1024xf32>
    %sub3A_199 = arith.subf %add3A_195, %get3A_198 : vector<1x1024xf32>
    %sub3A_200 = arith.subf %sub3A_199, %sub3A_191 : vector<1x1024xf32>
    %swap3A_201 = arith.constant 0 : index
    %swap3A_202 = arith.constant 0 : index
    %swap3A_203 = vector.load %arg26[%swap3A_201, %swap3A_202] : memref<1x1024xf32, #tpu.memory_space<vmem>>, vector<1x1024xf32>
    tpu.vector_store %arg26[%swap3A_201, %swap3A_202], %sub3A_200 {strides = array<i32>} : memref<1x1024xf32, #tpu.memory_space<vmem>>, vector<1x1024xf32>,
    %swap3A_204 = arith.constant 0 : index
    %swap3A_205 = arith.constant 0 : index
    %swap3A_206 = vector.load %arg25[%swap3A_204, %swap3A_205] : memref<1x1024xf32, #tpu.memory_space<vmem>>, vector<1x1024xf32>
    tpu.vector_store %arg25[%swap3A_204, %swap3A_205], %add3A_195 {strides = array<i32>} : memref<1x1024xf32, #tpu.memory_space<vmem>>, vector<1x1024xf32>,
    %get3A_207 = arith.constant 0 : index
    %get3A_208 = arith.constant 0 : index
    %get3A_209 = vector.load %arg19[%get3A_207, %get3A_208] : memref<1x1024xf32, #tpu.memory_space<vmem>>, vector<1x1024xf32>
    %reduce_sum3A_210 = arith.constant dense<0.000000e+00> : vector<1024xf32>
    %reduce_sum3A_211 = vector.multi_reduction <add>, %convert_element_type3A_177, %reduce_sum3A_210 [0] : vector<512x1024xf32> to vector<1024xf32>
    %broadcast_in_dim3A_212 = vector.shape_cast %reduce_sum3A_211 : vector<1024xf32> to vector<1x1024xf32>
    %add3A_213 = arith.addf %get3A_209, %broadcast_in_dim3A_212 : vector<1x1024xf32>
    %swap3A_214 = arith.constant 0 : index
    %swap3A_215 = arith.constant 0 : index
    %swap3A_216 = vector.load %arg19[%swap3A_214, %swap3A_215] : memref<1x1024xf32, #tpu.memory_space<vmem>>, vector<1x1024xf32>
    tpu.vector_store %arg19[%swap3A_214, %swap3A_215], %add3A_213 {strides = array<i32>} : memref<1x1024xf32, #tpu.memory_space<vmem>>, vector<1x1024xf32>,
    %get3A_217 = arith.constant 0 : index
    %get3A_218 = arith.constant 0 : index
    %get3A_219 = vector.load %arg15[%get3A_217, %get3A_218] : memref<1024x896xf32, #tpu.memory_space<vmem>>, vector<1024x896xf32>
    %dot_general3A_220 = arith.constant dense<0.000000e+00> : vector<512x896xf32>
    %dot_general3A_221 = tpu.matmul %convert_element_type3A_177, %get3A_219, %dot_general3A_220 {dimension_numbers = #tpu.dot_dimension_numbers<[1], [0], [0], [1], [0, 0, 1, 1], [], []>, transpose_lhs_hint = false} : vector<512x1024xf32>, vector<1024x896xf32>, vector<512x896xf32> -> vector<512x896xf32>
    %slice3A = vector.extract_strided_slice %dot_general3A_221 {offsets = [0, 0], sizes = [512, 768], strides = [1, 1]} : vector<512x896xf32> to vector<512x768xf32>
    %slice3A_222 = vector.extract_strided_slice %dot_general3A_221 {offsets = [0, 768], sizes = [512, 1], strides = [1, 1]} : vector<512x896xf32> to vector<512x1xf32>
    %mul3A_223 = arith.mulf %get3A_3, %get3A_3 : vector<512x768xf32>
    %reduce_sum3A_224 = arith.constant dense<0.000000e+00> : vector<512xf32>
    %reduce_sum3A_225 = vector.multi_reduction <add>, %mul3A_223, %reduce_sum3A_224 [1] : vector<512x768xf32> to vector<512xf32>
    %broadcast_in_dim3A_226 = vector.shape_cast %reduce_sum3A_225 : vector<512xf32> to vector<512x1xf32>
    %sqrt3A_227 = math.sqrt %broadcast_in_dim3A_226 : vector<512x1xf32>
    %mul3A_228 = arith.mulf %slice3A, %get3A_3 : vector<512x768xf32>
    %reduce_sum3A_229 = arith.constant dense<0.000000e+00> : vector<512xf32>
    %reduce_sum3A_230 = vector.multi_reduction <add>, %mul3A_228, %reduce_sum3A_229 [1] : vector<512x768xf32> to vector<512xf32>
    %broadcast_in_dim3A_231 = vector.shape_cast %reduce_sum3A_230 : vector<512xf32> to vector<512x1xf32>
    %max3A_232 = arith.constant 9.99999997E-7 : f32
    %max3A_233 = vector.broadcast %max3A_232 : f32 to vector<512x1xf32>
    %max3A_234 = arith.maximumf %sqrt3A_227, %max3A_233 : vector<512x1xf32>
    %mul3A_235 = arith.mulf %slice3A_222, %max3A_234 : vector<512x1xf32>
    %div3A_236 = arith.divf %broadcast_in_dim3A_231, %mul3A_235 : vector<512x1xf32>
    %get3A_237 = arith.constant 0 : index
    %get3A_238 = arith.constant 0 : index
    %get3A_239 = vector.load %arg27[%get3A_237, %get3A_238] : memref<1x1xf32, #tpu.memory_space<vmem>>, vector<1x1xf32>
    %reduce_sum3A_240 = arith.constant dense<0.000000e+00> : vector<1xf32>
    %reduce_sum3A_241 = vector.multi_reduction <add>, %broadcast_in_dim3A_164, %reduce_sum3A_240 [0] : vector<512x1xf32> to vector<1xf32>
    %broadcast_in_dim3A_242 = vector.shape_cast %reduce_sum3A_241 : vector<1xf32> to vector<1x1xf32>
    %add3A_243 = arith.addf %get3A_239, %broadcast_in_dim3A_242 : vector<1x1xf32>
    %swap3A_244 = arith.constant 0 : index
    %swap3A_245 = arith.constant 0 : index
    %swap3A_246 = vector.load %arg27[%swap3A_244, %swap3A_245] : memref<1x1xf32, #tpu.memory_space<vmem>>, vector<1x1xf32>
    tpu.vector_store %arg27[%swap3A_244, %swap3A_245], %add3A_243 {strides = array<i32>} : memref<1x1xf32, #tpu.memory_space<vmem>>, vector<1x1xf32>,
    %get3A_247 = arith.constant 0 : index
    %get3A_248 = arith.constant 0 : index
    %get3A_249 = vector.load %arg28[%get3A_247, %get3A_248] : memref<1x1xf32, #tpu.memory_space<vmem>>, vector<1x1xf32>
    %reduce_sum3A_250 = arith.constant dense<0.000000e+00> : vector<1xf32>
    %reduce_sum3A_251 = vector.multi_reduction <add>, %div3A_236, %reduce_sum3A_250 [0] : vector<512x1xf32> to vector<1xf32>
    %broadcast_in_dim3A_252 = vector.shape_cast %reduce_sum3A_251 : vector<1xf32> to vector<1x1xf32>
    %add3A_253 = arith.addf %get3A_249, %broadcast_in_dim3A_252 : vector<1x1xf32>
    %swap3A_254 = arith.constant 0 : index
    %swap3A_255 = arith.constant 0 : index
    %swap3A_256 = vector.load %arg28[%swap3A_254, %swap3A_255] : memref<1x1xf32, #tpu.memory_space<vmem>>, vector<1x1xf32>
    tpu.vector_store %arg28[%swap3A_254, %swap3A_255], %add3A_253 {strides = array<i32>} : memref<1x1xf32, #tpu.memory_space<vmem>>, vector<1x1xf32>,
    %get3A_257 = arith.constant 0 : index
    %get3A_258 = arith.constant 0 : index
    %get3A_259 = vector.load %arg29[%get3A_257, %get3A_258] : memref<1x1xf32, #tpu.memory_space<vmem>>, vector<1x1xf32>
    %reduce_sum3A_260 = arith.constant dense<0.000000e+00> : vector<1xf32>
    %reduce_sum3A_261 = vector.multi_reduction <add>, %broadcast_in_dim3A_231, %reduce_sum3A_260 [0] : vector<512x1xf32> to vector<1xf32>
    %broadcast_in_dim3A_262 = vector.shape_cast %reduce_sum3A_261 : vector<1xf32> to vector<1x1xf32>
    %add3A_263 = arith.addf %get3A_259, %broadcast_in_dim3A_262 : vector<1x1xf32>
    %swap3A_264 = arith.constant 0 : index
    %swap3A_265 = arith.constant 0 : index
    %swap3A_266 = vector.load %arg29[%swap3A_264, %swap3A_265] : memref<1x1xf32, #tpu.memory_space<vmem>>, vector<1x1xf32>
    tpu.vector_store %arg29[%swap3A_264, %swap3A_265], %add3A_263 {strides = array<i32>} : memref<1x1xf32, #tpu.memory_space<vmem>>, vector<1x1xf32>,
    %get3A_267 = arith.constant 0 : index
    %get3A_268 = arith.constant 0 : index
    %get3A_269 = vector.load %arg30[%get3A_267, %get3A_268] : memref<1x1xf32, #tpu.memory_space<vmem>>, vector<1x1xf32>
    %reduce_sum3A_270 = arith.constant dense<0.000000e+00> : vector<1xf32>
    %reduce_sum3A_271 = vector.multi_reduction <add>, %broadcast_in_dim3A_226, %reduce_sum3A_270 [0] : vector<512x1xf32> to vector<1xf32>
    %broadcast_in_dim3A_272 = vector.shape_cast %reduce_sum3A_271 : vector<1xf32> to vector<1x1xf32>
    %add3A_273 = arith.addf %get3A_269, %broadcast_in_dim3A_272 : vector<1x1xf32>
    %swap3A_274 = arith.constant 0 : index
    %swap3A_275 = arith.constant 0 : index
    %swap3A_276 = vector.load %arg30[%swap3A_274, %swap3A_275] : memref<1x1xf32, #tpu.memory_space<vmem>>, vector<1x1xf32>
    tpu.vector_store %arg30[%swap3A_274, %swap3A_275], %add3A_273 {strides = array<i32>} : memref<1x1xf32, #tpu.memory_space<vmem>>, vector<1x1xf32>,
    %eq3A_277 = arith.constant 17 : i32
    %eq3A_278 = arith.cmpi eq, %arg0, %eq3A_277 : i32
    %convert_element_type3A_279 = arith.extui %eq3A_278 : i1 to i32
    %cond3A_280 = arith.constant 0 : i32
    %cond3A_281 = arith.cmpi ne, %convert_element_type3A_279, %cond3A_280 : i32
    scf.if %cond3A_281 {
      %get3A_282 = arith.constant 0 : index
      %get3A_283 = arith.constant 0 : index
      %get3A_284 = vector.load %arg25[%get3A_282, %get3A_283] : memref<1x1024xf32, #tpu.memory_space<vmem>>, vector<1x1024xf32>
      %swap3A_285 = arith.constant 0 : index
      %swap3A_286 = arith.constant 0 : index
      %swap3A_287 = vector.load %arg20[%swap3A_285, %swap3A_286] : memref<1x1024xf32, #tpu.memory_space<vmem>>, vector<1x1024xf32>
      tpu.vector_store %arg20[%swap3A_285, %swap3A_286], %get3A_284 {strides = array<i32>} : memref<1x1024xf32, #tpu.memory_space<vmem>>, vector<1x1024xf32>,
      %get3A_288 = arith.constant 0 : index
      %get3A_289 = arith.constant 0 : index
      %get3A_290 = vector.load %arg27[%get3A_288, %get3A_289] : memref<1x1xf32, #tpu.memory_space<vmem>>, vector<1x1xf32>
      %swap3A_291 = arith.constant 0 : index
      %swap3A_292 = arith.constant 0 : index
      %swap3A_293 = vector.load %arg21[%swap3A_291, %swap3A_292] : memref<1x1xf32, #tpu.memory_space<vmem>>, vector<1x1xf32>
      tpu.vector_store %arg21[%swap3A_291, %swap3A_292], %get3A_290 {strides = array<i32>} : memref<1x1xf32, #tpu.memory_space<vmem>>, vector<1x1xf32>,
      %get3A_294 = arith.constant 0 : index
      %get3A_295 = arith.constant 0 : index
      %get3A_296 = vector.load %arg28[%get3A_294, %get3A_295] : memref<1x1xf32, #tpu.memory_space<vmem>>, vector<1x1xf32>
      %swap3A_297 = arith.constant 0 : index
      %swap3A_298 = arith.constant 0 : index
      %swap3A_299 = vector.load %arg22[%swap3A_297, %swap3A_298] : memref<1x1xf32, #tpu.memory_space<vmem>>, vector<1x1xf32>
      tpu.vector_store %arg22[%swap3A_297, %swap3A_298], %get3A_296 {strides = array<i32>} : memref<1x1xf32, #tpu.memory_space<vmem>>, vector<1x1xf32>,
      %get3A_300 = arith.constant 0 : index
      %get3A_301 = arith.constant 0 : index
      %get3A_302 = vector.load %arg29[%get3A_300, %get3A_301] : memref<1x1xf32, #tpu.memory_space<vmem>>, vector<1x1xf32>
      %swap3A_303 = arith.constant 0 : index
      %swap3A_304 = arith.constant 0 : index
      %swap3A_305 = vector.load %arg23[%swap3A_303, %swap3A_304] : memref<1x1xf32, #tpu.memory_space<vmem>>, vector<1x1xf32>
      tpu.vector_store %arg23[%swap3A_303, %swap3A_304], %get3A_302 {strides = array<i32>} : memref<1x1xf32, #tpu.memory_space<vmem>>, vector<1x1xf32>,
      %get3A_306 = arith.constant 0 : index
      %get3A_307 = arith.constant 0 : index
      %get3A_308 = vector.load %arg30[%get3A_306, %get3A_307] : memref<1x1xf32, #tpu.memory_space<vmem>>, vector<1x1xf32>
      %swap3A_309 = arith.constant 0 : index
      %swap3A_310 = arith.constant 0 : index
      %swap3A_311 = vector.load %arg24[%swap3A_309, %swap3A_310] : memref<1x1xf32, #tpu.memory_space<vmem>>, vector<1x1xf32>
      tpu.vector_store %arg24[%swap3A_309, %swap3A_310], %get3A_308 {strides = array<i32>} : memref<1x1xf32, #tpu.memory_space<vmem>>, vector<1x1xf32>,
    } else {
    }
    return
  }
  func.func @transform_0(%arg0: i32) -> (i32, i32) {
    %add3A = arith.constant 18 : i32
    %add3A_0 = arith.addi %arg0, %add3A : i32
    %c0_i32 = arith.constant 0 : i32
    %c0_i32_1 = arith.constant 0 : i32
    return %add3A_0, %c0_i32 : i32, i32
  }
  func.func @transform_1(%arg0: i32) -> (i32, i32) {
    %c0_i32 = arith.constant 0 : i32
    %c0_i32_0 = arith.constant 0 : i32
    %c0_i32_1 = arith.constant 0 : i32
    return %c0_i32, %c0_i32_0 : i32, i32
  }
  func.func @transform_2(%arg0: i32) -> (i32, i32) {
    %c0_i32 = arith.constant 0 : i32
    %c0_i32_0 = arith.constant 0 : i32
    %c0_i32_1 = arith.constant 0 : i32
    return %c0_i32, %c0_i32_0 : i32, i32
  }
  func.func @transform_3(%arg0: i32) -> (i32, i32) {
    %c0_i32 = arith.constant 0 : i32
    %c0_i32_0 = arith.constant 0 : i32
    %c0_i32_1 = arith.constant 0 : i32
    return %c0_i32, %c0_i32_0 : i32, i32
  }
  func.func @transform_4(%arg0: i32) -> (i32, i32) {
    %c0_i32 = arith.constant 0 : i32
    %c0_i32_0 = arith.constant 0 : i32
    %c0_i32_1 = arith.constant 0 : i32
    return %c0_i32, %c0_i32_0 : i32, i32
  }
  func.func @transform_5(%arg0: i32) -> (i32, i32) {
    %c0_i32 = arith.constant 0 : i32
    %c0_i32_0 = arith.constant 0 : i32
    %c0_i32_1 = arith.constant 0 : i32
    return %c0_i32, %c0_i32_0 : i32, i32
  }
  func.func @transform_6(%arg0: i32) -> (i32, i32) {
    %c0_i32 = arith.constant 0 : i32
    %c0_i32_0 = arith.constant 0 : i32
    %c0_i32_1 = arith.constant 0 : i32
    return %c0_i32, %c0_i32_0 : i32, i32
  }
  func.func @transform_7(%arg0: i32) -> (i32, i32) {
    %c0_i32 = arith.constant 0 : i32
    %c0_i32_0 = arith.constant 0 : i32
    %c0_i32_1 = arith.constant 0 : i32
    return %c0_i32, %c0_i32_0 : i32, i32
  }
  func.func @transform_8(%arg0: i32) -> (i32, i32) {
    %c0_i32 = arith.constant 0 : i32
    %c0_i32_0 = arith.constant 0 : i32
    %c0_i32_1 = arith.constant 0 : i32
    return %c0_i32, %c0_i32_0 : i32, i32
  }
  func.func @transform_9(%arg0: i32) -> (i32, i32) {
    %c0_i32 = arith.constant 0 : i32
    %c0_i32_0 = arith.constant 0 : i32
    %c0_i32_1 = arith.constant 0 : i32
    return %c0_i32, %c0_i32_0 : i32, i32
  }
  func.func @transform_10(%arg0: i32) -> (i32, i32) {
    %c0_i32 = arith.constant 0 : i32
    %c0_i32_0 = arith.constant 0 : i32
    %c0_i32_1 = arith.constant 0 : i32
    return %c0_i32, %c0_i32_0 : i32, i32
  }
  func.func @transform_11(%arg0: i32) -> (i32, i32) {
    %c0_i32 = arith.constant 0 : i32
    %c0_i32_0 = arith.constant 0 : i32
    %c0_i32_1 = arith.constant 0 : i32
    return %c0_i32, %c0_i32_0 : i32, i32
  }
  func.func @transform_12(%arg0: i32) -> (i32, i32) {
    %c0_i32 = arith.constant 0 : i32
    %c0_i32_0 = arith.constant 0 : i32
    %c0_i32_1 = arith.constant 0 : i32
    return %c0_i32, %c0_i32_0 : i32, i32
  }
  func.func @transform_13(%arg0: i32) -> (i32, i32) {
    %c0_i32 = arith.constant 0 : i32
    %c0_i32_0 = arith.constant 0 : i32
    %c0_i32_1 = arith.constant 0 : i32
    return %c0_i32, %c0_i32_0 : i32, i32
  }
  func.func @transform_14(%arg0: i32) -> (i32, i32) {
    %c0_i32 = arith.constant 0 : i32
    %c0_i32_0 = arith.constant 0 : i32
    %c0_i32_1 = arith.constant 0 : i32
    return %c0_i32, %c0_i32_0 : i32, i32
  }
  func.func @transform_16(%arg0: i32) -> (i32, i32) {
    %add3A = arith.constant 18 : i32
    %add3A_0 = arith.addi %arg0, %add3A : i32
    %c0_i32 = arith.constant 0 : i32
    %c0_i32_1 = arith.constant 0 : i32
    return %add3A_0, %c0_i32 : i32, i32
  }
  func.func @transform_17(%arg0: i32) -> (i32, i32) {
    %c0_i32 = arith.constant 0 : i32
    %c0_i32_0 = arith.constant 0 : i32
    return %arg0, %c0_i32 : i32, i32
  }
  func.func @transform_18(%arg0: i32) -> (i32, i32) {
    %c0_i32 = arith.constant 0 : i32
    %c0_i32_0 = arith.constant 0 : i32
    %c0_i32_1 = arith.constant 0 : i32
    return %c0_i32, %c0_i32_0 : i32, i32
  }
  func.func @transform_19(%arg0: i32) -> (i32, i32) {
    %c0_i32 = arith.constant 0 : i32
    %c0_i32_0 = arith.constant 0 : i32
    %c0_i32_1 = arith.constant 0 : i32
    return %c0_i32, %c0_i32_0 : i32, i32
  }
  func.func @transform_20(%arg0: i32) -> (i32, i32) {
    %c0_i32 = arith.constant 0 : i32
    %c0_i32_0 = arith.constant 0 : i32
    %c0_i32_1 = arith.constant 0 : i32
    return %c0_i32, %c0_i32_0 : i32, i32
  }
  func.func @transform_21(%arg0: i32) -> (i32, i32) {
    %c0_i32 = arith.constant 0 : i32
    %c0_i32_0 = arith.constant 0 : i32
    %c0_i32_1 = arith.constant 0 : i32
    return %c0_i32, %c0_i32_0 : i32, i32
  }
  func.func @transform_22(%arg0: i32) -> (i32, i32) {
    %c0_i32 = arith.constant 0 : i32
    %c0_i32_0 = arith.constant 0 : i32
    %c0_i32_1 = arith.constant 0 : i32
    return %c0_i32, %c0_i32_0 : i32, i32
  }
  func.func @transform_23(%arg0: i32) -> (i32, i32) {
    %c0_i32 = arith.constant 0 : i32
    %c0_i32_0 = arith.constant 0 : i32
    %c0_i32_1 = arith.constant 0 : i32
    return %c0_i32, %c0_i32_0 : i32, i32
  }
}

module attributes {stable_mosaic.version = 14 : i64} {
  func.func @_main_kernel(%arg0: i32, %arg1: memref<512x768xf32, #tpu.memory_space<vmem>>, %arg2: memref<1x768xf32, #tpu.memory_space<vmem>>, %arg3: memref<1x768xf32, #tpu.memory_space<vmem>>, %arg4: memref<768x256xf32, #tpu.memory_space<vmem>>, %arg5: memref<1x256xf32, #tpu.memory_space<vmem>>, %arg6: memref<1x256xf32, #tpu.memory_space<vmem>>, %arg7: memref<1x256xf32, #tpu.memory_space<vmem>>, %arg8: memref<256x256xf32, #tpu.memory_space<vmem>>, %arg9: memref<1x256xf32, #tpu.memory_space<vmem>>, %arg10: memref<1x256xf32, #tpu.memory_space<vmem>>, %arg11: memref<1x256xf32, #tpu.memory_space<vmem>>, %arg12: memref<256x256xf32, #tpu.memory_space<vmem>>, %arg13: memref<1x256xf32, #tpu.memory_space<vmem>>, %arg14: memref<1024x256xf32, #tpu.memory_space<vmem>>, %arg15: memref<1024x896xf32, #tpu.memory_space<vmem>>, %arg16: memref<512x256xf32, #tpu.memory_space<vmem>>, %arg17: memref<512x1xi32, #tpu.memory_space<vmem>>, %arg18: memref<1x1024xf32, #tpu.memory_space<vmem>>, %arg19: memref<1x1024xf32, #tpu.memory_space<vmem>>, %arg20: memref<1x1xf32, #tpu.memory_space<vmem>>, %arg21: memref<1x1xf32, #tpu.memory_space<vmem>>, %arg22: memref<1x1xf32, #tpu.memory_space<vmem>>, %arg23: memref<1x1xf32, #tpu.memory_space<vmem>>, %arg24: memref<1x1024xf32, #tpu.memory_space<vmem>>, %arg25: memref<1x1024xf32, #tpu.memory_space<vmem>>, %arg26: memref<1x1xf32, #tpu.memory_space<vmem>>, %arg27: memref<1x1xf32, #tpu.memory_space<vmem>>, %arg28: memref<1x1xf32, #tpu.memory_space<vmem>>, %arg29: memref<1x1xf32, #tpu.memory_space<vmem>>) attributes {dimension_semantics = [#tpu.dimension_semantics<arbitrary>], iteration_bounds = array<i64: 18>, scalar_prefetch = 0 : i64, scratch_operands = 6 : i64, tpu.core_type = #tpu.core_type<tc>, window_params = [{transform_indices = @transform_0, window_bounds = array<i64: 512, 768>}, {pipeline_mode = #tpu.pipeline_mode<synchronous>, transform_indices = @transform_1, window_bounds = array<i64: 1, 768>}, {pipeline_mode = #tpu.pipeline_mode<synchronous>, transform_indices = @transform_2, window_bounds = array<i64: 1, 768>}, {pipeline_mode = #tpu.pipeline_mode<synchronous>, transform_indices = @transform_3, window_bounds = array<i64: 768, 256>}, {pipeline_mode = #tpu.pipeline_mode<synchronous>, transform_indices = @transform_4, window_bounds = array<i64: 1, 256>}, {pipeline_mode = #tpu.pipeline_mode<synchronous>, transform_indices = @transform_5, window_bounds = array<i64: 1, 256>}, {pipeline_mode = #tpu.pipeline_mode<synchronous>, transform_indices = @transform_6, window_bounds = array<i64: 1, 256>}, {pipeline_mode = #tpu.pipeline_mode<synchronous>, transform_indices = @transform_7, window_bounds = array<i64: 256, 256>}, {pipeline_mode = #tpu.pipeline_mode<synchronous>, transform_indices = @transform_8, window_bounds = array<i64: 1, 256>}, {pipeline_mode = #tpu.pipeline_mode<synchronous>, transform_indices = @transform_9, window_bounds = array<i64: 1, 256>}, {pipeline_mode = #tpu.pipeline_mode<synchronous>, transform_indices = @transform_10, window_bounds = array<i64: 1, 256>}, {pipeline_mode = #tpu.pipeline_mode<synchronous>, transform_indices = @transform_11, window_bounds = array<i64: 256, 256>}, {pipeline_mode = #tpu.pipeline_mode<synchronous>, transform_indices = @transform_12, window_bounds = array<i64: 1, 256>}, {pipeline_mode = #tpu.pipeline_mode<synchronous>, transform_indices = @transform_13, window_bounds = array<i64: 1024, 256>}, {pipeline_mode = #tpu.pipeline_mode<synchronous>, transform_indices = @transform_14, window_bounds = array<i64: 1024, 896>}, {transform_indices = @transform_15, window_bounds = array<i64: 512, 256>}, {transform_indices = @transform_16, window_bounds = array<i64: 512, 1>}, {pipeline_mode = #tpu.pipeline_mode<synchronous>, transform_indices = @transform_17, window_bounds = array<i64: 1, 1024>}, {pipeline_mode = #tpu.pipeline_mode<synchronous>, transform_indices = @transform_18, window_bounds = array<i64: 1, 1024>}, {pipeline_mode = #tpu.pipeline_mode<synchronous>, transform_indices = @transform_19, window_bounds = array<i64: 1, 1>}, {pipeline_mode = #tpu.pipeline_mode<synchronous>, transform_indices = @transform_20, window_bounds = array<i64: 1, 1>}, {pipeline_mode = #tpu.pipeline_mode<synchronous>, transform_indices = @transform_21, window_bounds = array<i64: 1, 1>}, {pipeline_mode = #tpu.pipeline_mode<synchronous>, transform_indices = @transform_22, window_bounds = array<i64: 1, 1>}]} {
    %eq3A = arith.constant 0 : i32
    %eq3A_0 = arith.cmpi eq, %arg0, %eq3A : i32
    %convert_element_type3A = arith.extui %eq3A_0 : i1 to i32
    %cond3A = arith.constant 0 : i32
    %cond3A_1 = arith.cmpi ne, %convert_element_type3A, %cond3A : i32
    scf.if %cond3A_1 {
      %broadcast_in_dim3A_282 = arith.constant 0.000000e+00 : f32
      %broadcast_in_dim3A_283 = vector.broadcast %broadcast_in_dim3A_282 : f32 to vector<1x1024xf32>
      %swap3A_284 = arith.constant 0 : index
      %swap3A_285 = arith.constant 0 : index
      %swap3A_286 = vector.load %arg24[%swap3A_284, %swap3A_285] : memref<1x1024xf32, #tpu.memory_space<vmem>>, vector<1x1024xf32>
      tpu.vector_store %arg24[%swap3A_284, %swap3A_285], %broadcast_in_dim3A_283 {strides = array<i32>} : memref<1x1024xf32, #tpu.memory_space<vmem>>, vector<1x1024xf32>,
      %broadcast_in_dim3A_287 = arith.constant 0.000000e+00 : f32
      %broadcast_in_dim3A_288 = vector.broadcast %broadcast_in_dim3A_287 : f32 to vector<1x1024xf32>
      %swap3A_289 = arith.constant 0 : index
      %swap3A_290 = arith.constant 0 : index
      %swap3A_291 = vector.load %arg25[%swap3A_289, %swap3A_290] : memref<1x1024xf32, #tpu.memory_space<vmem>>, vector<1x1024xf32>
      tpu.vector_store %arg25[%swap3A_289, %swap3A_290], %broadcast_in_dim3A_288 {strides = array<i32>} : memref<1x1024xf32, #tpu.memory_space<vmem>>, vector<1x1024xf32>,
      %broadcast_in_dim3A_292 = arith.constant 0.000000e+00 : f32
      %broadcast_in_dim3A_293 = vector.broadcast %broadcast_in_dim3A_292 : f32 to vector<1x1xf32>
      %swap3A_294 = arith.constant 0 : index
      %swap3A_295 = arith.constant 0 : index
      %swap3A_296 = vector.load %arg26[%swap3A_294, %swap3A_295] : memref<1x1xf32, #tpu.memory_space<vmem>>, vector<1x1xf32>
      tpu.vector_store %arg26[%swap3A_294, %swap3A_295], %broadcast_in_dim3A_293 {strides = array<i32>} : memref<1x1xf32, #tpu.memory_space<vmem>>, vector<1x1xf32>,
      %broadcast_in_dim3A_297 = arith.constant 0.000000e+00 : f32
      %broadcast_in_dim3A_298 = vector.broadcast %broadcast_in_dim3A_297 : f32 to vector<1x1xf32>
      %swap3A_299 = arith.constant 0 : index
      %swap3A_300 = arith.constant 0 : index
      %swap3A_301 = vector.load %arg27[%swap3A_299, %swap3A_300] : memref<1x1xf32, #tpu.memory_space<vmem>>, vector<1x1xf32>
      tpu.vector_store %arg27[%swap3A_299, %swap3A_300], %broadcast_in_dim3A_298 {strides = array<i32>} : memref<1x1xf32, #tpu.memory_space<vmem>>, vector<1x1xf32>,
      %broadcast_in_dim3A_302 = arith.constant 0.000000e+00 : f32
      %broadcast_in_dim3A_303 = vector.broadcast %broadcast_in_dim3A_302 : f32 to vector<1x1xf32>
      %swap3A_304 = arith.constant 0 : index
      %swap3A_305 = arith.constant 0 : index
      %swap3A_306 = vector.load %arg28[%swap3A_304, %swap3A_305] : memref<1x1xf32, #tpu.memory_space<vmem>>, vector<1x1xf32>
      tpu.vector_store %arg28[%swap3A_304, %swap3A_305], %broadcast_in_dim3A_303 {strides = array<i32>} : memref<1x1xf32, #tpu.memory_space<vmem>>, vector<1x1xf32>,
      %broadcast_in_dim3A_307 = arith.constant 0.000000e+00 : f32
      %broadcast_in_dim3A_308 = vector.broadcast %broadcast_in_dim3A_307 : f32 to vector<1x1xf32>
      %swap3A_309 = arith.constant 0 : index
      %swap3A_310 = arith.constant 0 : index
      %swap3A_311 = vector.load %arg29[%swap3A_309, %swap3A_310] : memref<1x1xf32, #tpu.memory_space<vmem>>, vector<1x1xf32>
      tpu.vector_store %arg29[%swap3A_309, %swap3A_310], %broadcast_in_dim3A_308 {strides = array<i32>} : memref<1x1xf32, #tpu.memory_space<vmem>>, vector<1x1xf32>,
      %broadcast_in_dim3A_312 = arith.constant 0.000000e+00 : f32
      %broadcast_in_dim3A_313 = vector.broadcast %broadcast_in_dim3A_312 : f32 to vector<1x1024xf32>
      %swap3A_314 = arith.constant 0 : index
      %swap3A_315 = arith.constant 0 : index
      %swap3A_316 = vector.load %arg18[%swap3A_314, %swap3A_315] : memref<1x1024xf32, #tpu.memory_space<vmem>>, vector<1x1024xf32>
      tpu.vector_store %arg18[%swap3A_314, %swap3A_315], %broadcast_in_dim3A_313 {strides = array<i32>} : memref<1x1024xf32, #tpu.memory_space<vmem>>, vector<1x1024xf32>,
    } else {
    }
    %get3A = arith.constant 0 : index
    %get3A_2 = arith.constant 0 : index
    %get3A_3 = vector.load %arg1[%get3A, %get3A_2] : memref<512x768xf32, #tpu.memory_space<vmem>>, vector<512x768xf32>
    %get3A_4 = arith.constant 0 : index
    %get3A_5 = arith.constant 0 : index
    %get3A_6 = vector.load %arg2[%get3A_4, %get3A_5] : memref<1x768xf32, #tpu.memory_space<vmem>>, vector<1x768xf32>
    %get3A_7 = arith.constant 0 : index
    %get3A_8 = arith.constant 0 : index
    %get3A_9 = vector.load %arg3[%get3A_7, %get3A_8] : memref<1x768xf32, #tpu.memory_space<vmem>>, vector<1x768xf32>
    %reduce_sum3A = arith.constant dense<0.000000e+00> : vector<512xf32>
    %reduce_sum3A_10 = vector.multi_reduction <add>, %get3A_3, %reduce_sum3A [1] : vector<512x768xf32> to vector<512xf32>
    %broadcast_in_dim3A = vector.shape_cast %reduce_sum3A_10 : vector<512xf32> to vector<512x1xf32>
    %div3A = arith.constant 7.680000e+02 : f32
    %div3A_11 = vector.broadcast %div3A : f32 to vector<512x1xf32>
    %div3A_12 = arith.divf %broadcast_in_dim3A, %div3A_11 : vector<512x1xf32>
    %sub3A = vector.broadcast %div3A_12 : vector<512x1xf32> to vector<512x768xf32>
    %sub3A_13 = arith.subf %get3A_3, %sub3A : vector<512x768xf32>
    %integer_pow3A = arith.mulf %sub3A_13, %sub3A_13 : vector<512x768xf32>
    %reduce_sum3A_14 = arith.constant dense<0.000000e+00> : vector<512xf32>
    %reduce_sum3A_15 = vector.multi_reduction <add>, %integer_pow3A, %reduce_sum3A_14 [1] : vector<512x768xf32> to vector<512xf32>
    %broadcast_in_dim3A_16 = vector.shape_cast %reduce_sum3A_15 : vector<512xf32> to vector<512x1xf32>
    %div3A_17 = arith.constant 7.680000e+02 : f32
    %div3A_18 = vector.broadcast %div3A_17 : f32 to vector<512x1xf32>
    %div3A_19 = arith.divf %broadcast_in_dim3A_16, %div3A_18 : vector<512x1xf32>
    %sub3A_20 = vector.broadcast %div3A_12 : vector<512x1xf32> to vector<512x768xf32>
    %sub3A_21 = arith.subf %get3A_3, %sub3A_20 : vector<512x768xf32>
    %add3A = arith.constant 9.99999974E-6 : f32
    %add3A_22 = vector.broadcast %add3A : f32 to vector<512x1xf32>
    %add3A_23 = arith.addf %div3A_19, %add3A_22 : vector<512x1xf32>
    %sqrt3A = math.sqrt %add3A_23 : vector<512x1xf32>
    %div3A_24 = vector.broadcast %sqrt3A : vector<512x1xf32> to vector<512x768xf32>
    %div3A_25 = arith.divf %sub3A_21, %div3A_24 : vector<512x768xf32>
    %mul3A = vector.broadcast %get3A_6 : vector<1x768xf32> to vector<512x768xf32>
    %mul3A_26 = arith.mulf %div3A_25, %mul3A : vector<512x768xf32>
    %add3A_27 = vector.broadcast %get3A_9 : vector<1x768xf32> to vector<512x768xf32>
    %add3A_28 = arith.addf %mul3A_26, %add3A_27 : vector<512x768xf32>
    %get3A_29 = arith.constant 0 : index
    %get3A_30 = arith.constant 0 : index
    %get3A_31 = vector.load %arg4[%get3A_29, %get3A_30] : memref<768x256xf32, #tpu.memory_space<vmem>>, vector<768x256xf32>
    %dot_general3A = arith.constant dense<0.000000e+00> : vector<512x256xf32>
    %dot_general3A_32 = tpu.matmul %add3A_28, %get3A_31, %dot_general3A {dimension_numbers = #tpu.dot_dimension_numbers<[1], [0], [0], [1], [0, 0, 1, 1], [], []>, transpose_lhs_hint = false} : vector<512x768xf32>, vector<768x256xf32>, vector<512x256xf32> -> vector<512x256xf32>
    %get3A_33 = arith.constant 0 : index
    %get3A_34 = arith.constant 0 : index
    %get3A_35 = vector.load %arg5[%get3A_33, %get3A_34] : memref<1x256xf32, #tpu.memory_space<vmem>>, vector<1x256xf32>
    %add3A_36 = vector.broadcast %get3A_35 : vector<1x256xf32> to vector<512x256xf32>
    %add3A_37 = arith.addf %dot_general3A_32, %add3A_36 : vector<512x256xf32>
    %logistic3A = arith.negf %add3A_37 : vector<512x256xf32>
    %logistic3A_38 = math.exp %logistic3A : vector<512x256xf32>
    %logistic3A_39 = arith.constant 1.000000e+00 : f32
    %logistic3A_40 = vector.broadcast %logistic3A_39 : f32 to vector<512x256xf32>
    %logistic3A_41 = arith.addf %logistic3A_40, %logistic3A_38 : vector<512x256xf32>
    %logistic3A_42 = arith.divf %logistic3A_40, %logistic3A_41 : vector<512x256xf32>
    %mul3A_43 = arith.mulf %add3A_37, %logistic3A_42 : vector<512x256xf32>
    %get3A_44 = arith.constant 0 : index
    %get3A_45 = arith.constant 0 : index
    %get3A_46 = vector.load %arg6[%get3A_44, %get3A_45] : memref<1x256xf32, #tpu.memory_space<vmem>>, vector<1x256xf32>
    %get3A_47 = arith.constant 0 : index
    %get3A_48 = arith.constant 0 : index
    %get3A_49 = vector.load %arg7[%get3A_47, %get3A_48] : memref<1x256xf32, #tpu.memory_space<vmem>>, vector<1x256xf32>
    %reduce_sum3A_50 = arith.constant dense<0.000000e+00> : vector<512xf32>
    %reduce_sum3A_51 = vector.multi_reduction <add>, %mul3A_43, %reduce_sum3A_50 [1] : vector<512x256xf32> to vector<512xf32>
    %broadcast_in_dim3A_52 = vector.shape_cast %reduce_sum3A_51 : vector<512xf32> to vector<512x1xf32>
    %div3A_53 = arith.constant 2.560000e+02 : f32
    %div3A_54 = vector.broadcast %div3A_53 : f32 to vector<512x1xf32>
    %div3A_55 = arith.divf %broadcast_in_dim3A_52, %div3A_54 : vector<512x1xf32>
    %sub3A_56 = vector.broadcast %div3A_55 : vector<512x1xf32> to vector<512x256xf32>
    %sub3A_57 = arith.subf %mul3A_43, %sub3A_56 : vector<512x256xf32>
    %integer_pow3A_58 = arith.mulf %sub3A_57, %sub3A_57 : vector<512x256xf32>
    %reduce_sum3A_59 = arith.constant dense<0.000000e+00> : vector<512xf32>
    %reduce_sum3A_60 = vector.multi_reduction <add>, %integer_pow3A_58, %reduce_sum3A_59 [1] : vector<512x256xf32> to vector<512xf32>
    %broadcast_in_dim3A_61 = vector.shape_cast %reduce_sum3A_60 : vector<512xf32> to vector<512x1xf32>
    %div3A_62 = arith.constant 2.560000e+02 : f32
    %div3A_63 = vector.broadcast %div3A_62 : f32 to vector<512x1xf32>
    %div3A_64 = arith.divf %broadcast_in_dim3A_61, %div3A_63 : vector<512x1xf32>
    %sub3A_65 = vector.broadcast %div3A_55 : vector<512x1xf32> to vector<512x256xf32>
    %sub3A_66 = arith.subf %mul3A_43, %sub3A_65 : vector<512x256xf32>
    %add3A_67 = arith.constant 9.99999974E-6 : f32
    %add3A_68 = vector.broadcast %add3A_67 : f32 to vector<512x1xf32>
    %add3A_69 = arith.addf %div3A_64, %add3A_68 : vector<512x1xf32>
    %sqrt3A_70 = math.sqrt %add3A_69 : vector<512x1xf32>
    %div3A_71 = vector.broadcast %sqrt3A_70 : vector<512x1xf32> to vector<512x256xf32>
    %div3A_72 = arith.divf %sub3A_66, %div3A_71 : vector<512x256xf32>
    %mul3A_73 = vector.broadcast %get3A_46 : vector<1x256xf32> to vector<512x256xf32>
    %mul3A_74 = arith.mulf %div3A_72, %mul3A_73 : vector<512x256xf32>
    %add3A_75 = vector.broadcast %get3A_49 : vector<1x256xf32> to vector<512x256xf32>
    %add3A_76 = arith.addf %mul3A_74, %add3A_75 : vector<512x256xf32>
    %get3A_77 = arith.constant 0 : index
    %get3A_78 = arith.constant 0 : index
    %get3A_79 = vector.load %arg8[%get3A_77, %get3A_78] : memref<256x256xf32, #tpu.memory_space<vmem>>, vector<256x256xf32>
    %dot_general3A_80 = arith.constant dense<0.000000e+00> : vector<512x256xf32>
    %dot_general3A_81 = tpu.matmul %add3A_76, %get3A_79, %dot_general3A_80 {dimension_numbers = #tpu.dot_dimension_numbers<[1], [0], [0], [1], [0, 0, 1, 1], [], []>, transpose_lhs_hint = false} : vector<512x256xf32>, vector<256x256xf32>, vector<512x256xf32> -> vector<512x256xf32>
    %get3A_82 = arith.constant 0 : index
    %get3A_83 = arith.constant 0 : index
    %get3A_84 = vector.load %arg9[%get3A_82, %get3A_83] : memref<1x256xf32, #tpu.memory_space<vmem>>, vector<1x256xf32>
    %add3A_85 = vector.broadcast %get3A_84 : vector<1x256xf32> to vector<512x256xf32>
    %add3A_86 = arith.addf %dot_general3A_81, %add3A_85 : vector<512x256xf32>
    %logistic3A_87 = arith.negf %add3A_86 : vector<512x256xf32>
    %logistic3A_88 = math.exp %logistic3A_87 : vector<512x256xf32>
    %logistic3A_89 = arith.constant 1.000000e+00 : f32
    %logistic3A_90 = vector.broadcast %logistic3A_89 : f32 to vector<512x256xf32>
    %logistic3A_91 = arith.addf %logistic3A_90, %logistic3A_88 : vector<512x256xf32>
    %logistic3A_92 = arith.divf %logistic3A_90, %logistic3A_91 : vector<512x256xf32>
    %mul3A_93 = arith.mulf %add3A_86, %logistic3A_92 : vector<512x256xf32>
    %get3A_94 = arith.constant 0 : index
    %get3A_95 = arith.constant 0 : index
    %get3A_96 = vector.load %arg10[%get3A_94, %get3A_95] : memref<1x256xf32, #tpu.memory_space<vmem>>, vector<1x256xf32>
    %get3A_97 = arith.constant 0 : index
    %get3A_98 = arith.constant 0 : index
    %get3A_99 = vector.load %arg11[%get3A_97, %get3A_98] : memref<1x256xf32, #tpu.memory_space<vmem>>, vector<1x256xf32>
    %reduce_sum3A_100 = arith.constant dense<0.000000e+00> : vector<512xf32>
    %reduce_sum3A_101 = vector.multi_reduction <add>, %mul3A_93, %reduce_sum3A_100 [1] : vector<512x256xf32> to vector<512xf32>
    %broadcast_in_dim3A_102 = vector.shape_cast %reduce_sum3A_101 : vector<512xf32> to vector<512x1xf32>
    %div3A_103 = arith.constant 2.560000e+02 : f32
    %div3A_104 = vector.broadcast %div3A_103 : f32 to vector<512x1xf32>
    %div3A_105 = arith.divf %broadcast_in_dim3A_102, %div3A_104 : vector<512x1xf32>
    %sub3A_106 = vector.broadcast %div3A_105 : vector<512x1xf32> to vector<512x256xf32>
    %sub3A_107 = arith.subf %mul3A_93, %sub3A_106 : vector<512x256xf32>
    %integer_pow3A_108 = arith.mulf %sub3A_107, %sub3A_107 : vector<512x256xf32>
    %reduce_sum3A_109 = arith.constant dense<0.000000e+00> : vector<512xf32>
    %reduce_sum3A_110 = vector.multi_reduction <add>, %integer_pow3A_108, %reduce_sum3A_109 [1] : vector<512x256xf32> to vector<512xf32>
    %broadcast_in_dim3A_111 = vector.shape_cast %reduce_sum3A_110 : vector<512xf32> to vector<512x1xf32>
    %div3A_112 = arith.constant 2.560000e+02 : f32
    %div3A_113 = vector.broadcast %div3A_112 : f32 to vector<512x1xf32>
    %div3A_114 = arith.divf %broadcast_in_dim3A_111, %div3A_113 : vector<512x1xf32>
    %sub3A_115 = vector.broadcast %div3A_105 : vector<512x1xf32> to vector<512x256xf32>
    %sub3A_116 = arith.subf %mul3A_93, %sub3A_115 : vector<512x256xf32>
    %add3A_117 = arith.constant 9.99999974E-6 : f32
    %add3A_118 = vector.broadcast %add3A_117 : f32 to vector<512x1xf32>
    %add3A_119 = arith.addf %div3A_114, %add3A_118 : vector<512x1xf32>
    %sqrt3A_120 = math.sqrt %add3A_119 : vector<512x1xf32>
    %div3A_121 = vector.broadcast %sqrt3A_120 : vector<512x1xf32> to vector<512x256xf32>
    %div3A_122 = arith.divf %sub3A_116, %div3A_121 : vector<512x256xf32>
    %mul3A_123 = vector.broadcast %get3A_96 : vector<1x256xf32> to vector<512x256xf32>
    %mul3A_124 = arith.mulf %div3A_122, %mul3A_123 : vector<512x256xf32>
    %add3A_125 = vector.broadcast %get3A_99 : vector<1x256xf32> to vector<512x256xf32>
    %add3A_126 = arith.addf %mul3A_124, %add3A_125 : vector<512x256xf32>
    %get3A_127 = arith.constant 0 : index
    %get3A_128 = arith.constant 0 : index
    %get3A_129 = vector.load %arg12[%get3A_127, %get3A_128] : memref<256x256xf32, #tpu.memory_space<vmem>>, vector<256x256xf32>
    %dot_general3A_130 = arith.constant dense<0.000000e+00> : vector<512x256xf32>
    %dot_general3A_131 = tpu.matmul %add3A_126, %get3A_129, %dot_general3A_130 {dimension_numbers = #tpu.dot_dimension_numbers<[1], [0], [0], [1], [0, 0, 1, 1], [], []>, transpose_lhs_hint = false} : vector<512x256xf32>, vector<256x256xf32>, vector<512x256xf32> -> vector<512x256xf32>
    %get3A_132 = arith.constant 0 : index
    %get3A_133 = arith.constant 0 : index
    %get3A_134 = vector.load %arg13[%get3A_132, %get3A_133] : memref<1x256xf32, #tpu.memory_space<vmem>>, vector<1x256xf32>
    %add3A_135 = vector.broadcast %get3A_134 : vector<1x256xf32> to vector<512x256xf32>
    %add3A_136 = arith.addf %dot_general3A_131, %add3A_135 : vector<512x256xf32>
    %mul3A_137 = arith.mulf %add3A_136, %add3A_136 : vector<512x256xf32>
    %reduce_sum3A_138 = arith.constant dense<0.000000e+00> : vector<512xf32>
    %reduce_sum3A_139 = vector.multi_reduction <add>, %mul3A_137, %reduce_sum3A_138 [1] : vector<512x256xf32> to vector<512xf32>
    %broadcast_in_dim3A_140 = vector.shape_cast %reduce_sum3A_139 : vector<512xf32> to vector<512x1xf32>
    %sqrt3A_141 = math.sqrt %broadcast_in_dim3A_140 : vector<512x1xf32>
    %max3A = arith.constant 9.99999996E-13 : f32
    %max3A_142 = vector.broadcast %max3A : f32 to vector<512x1xf32>
    %max3A_143 = arith.maximumf %sqrt3A_141, %max3A_142 : vector<512x1xf32>
    %div3A_144 = vector.broadcast %max3A_143 : vector<512x1xf32> to vector<512x256xf32>
    %div3A_145 = arith.divf %add3A_136, %div3A_144 : vector<512x256xf32>
    %swap3A = arith.constant 0 : index
    %swap3A_146 = arith.constant 0 : index
    %swap3A_147 = vector.load %arg16[%swap3A, %swap3A_146] : memref<512x256xf32, #tpu.memory_space<vmem>>, vector<512x256xf32>
    tpu.vector_store %arg16[%swap3A, %swap3A_146], %div3A_145 {strides = array<i32>} : memref<512x256xf32, #tpu.memory_space<vmem>>, vector<512x256xf32>,
    %get3A_148 = arith.constant 0 : index
    %get3A_149 = arith.constant 0 : index
    %get3A_150 = vector.load %arg14[%get3A_148, %get3A_149] : memref<1024x256xf32, #tpu.memory_space<vmem>>, vector<1024x256xf32>
    %mul3A_151 = arith.mulf %div3A_145, %div3A_145 : vector<512x256xf32>
    %reduce_sum3A_152 = arith.constant dense<0.000000e+00> : vector<512xf32>
    %reduce_sum3A_153 = vector.multi_reduction <add>, %mul3A_151, %reduce_sum3A_152 [1] : vector<512x256xf32> to vector<512xf32>
    %broadcast_in_dim3A_154 = vector.shape_cast %reduce_sum3A_153 : vector<512xf32> to vector<512x1xf32>
    %sqrt3A_155 = math.sqrt %broadcast_in_dim3A_154 : vector<512x1xf32>
    %max3A_156 = arith.constant 9.99999996E-13 : f32
    %max3A_157 = vector.broadcast %max3A_156 : f32 to vector<512x1xf32>
    %max3A_158 = arith.maximumf %sqrt3A_155, %max3A_157 : vector<512x1xf32>
    %div3A_159 = vector.broadcast %max3A_158 : vector<512x1xf32> to vector<512x256xf32>
    %div3A_160 = arith.divf %div3A_145, %div3A_159 : vector<512x256xf32>
    %dot_general3A_161 = arith.constant dense<0.000000e+00> : vector<512x1024xf32>
    %dot_general3A_162 = tpu.matmul %div3A_160, %get3A_150, %dot_general3A_161 {dimension_numbers = #tpu.dot_dimension_numbers<[1], [1], [0], [0], [0, 0, 1, 0], [], []>, transpose_lhs_hint = false} : vector<512x256xf32>, vector<1024x256xf32>, vector<512x1024xf32> -> vector<512x1024xf32>
    %reduce_max3A = arith.constant dense<0xFF800000> : vector<512xf32>
    %reduce_max3A_163 = vector.multi_reduction <maximumf>, %dot_general3A_162, %reduce_max3A [1] : vector<512x1024xf32> to vector<512xf32>
    %broadcast_in_dim3A_164 = vector.shape_cast %reduce_max3A_163 : vector<512xf32> to vector<512x1xf32>
    %iota3A = tpu.iota {dimensions = array<i32: 1>} : vector<512x1024xi32>
    %eq3A_165 = vector.broadcast %broadcast_in_dim3A_164 : vector<512x1xf32> to vector<512x1024xf32>
    %eq3A_166 = arith.cmpf oeq, %dot_general3A_162, %eq3A_165 : vector<512x1024xf32>
    %jit3A = arith.constant 1024 : i32
    %broadcast_in_dim3A_167 = vector.broadcast %jit3A : i32 to vector<512x1024xi32>
    %select_n3A = arith.select %eq3A_166, %iota3A, %broadcast_in_dim3A_167 : vector<512x1024xi1>, vector<512x1024xi32>
    %reduce_min3A = arith.constant dense<2147483647> : vector<512xi32>
    %reduce_min3A_168 = vector.multi_reduction <minsi>, %select_n3A, %reduce_min3A [1] : vector<512x1024xi32> to vector<512xi32>
    %broadcast_in_dim3A_169 = vector.shape_cast %reduce_min3A_168 : vector<512xi32> to vector<512x1xi32>
    %swap3A_170 = arith.constant 0 : index
    %swap3A_171 = arith.constant 0 : index
    %swap3A_172 = vector.load %arg17[%swap3A_170, %swap3A_171] : memref<512x1xi32, #tpu.memory_space<vmem>>, vector<512x1xi32>
    tpu.vector_store %arg17[%swap3A_170, %swap3A_171], %broadcast_in_dim3A_169 {strides = array<i32>} : memref<512x1xi32, #tpu.memory_space<vmem>>, vector<512x1xi32>,
    %broadcast_in_dim3A_173 = vector.shape_cast %reduce_min3A_168 : vector<512xi32> to vector<512x1xi32>
    %eq3A_174 = vector.broadcast %broadcast_in_dim3A_173 : vector<512x1xi32> to vector<512x1024xi32>
    %eq3A_175 = arith.cmpi eq, %iota3A, %eq3A_174 : vector<512x1024xi32>
    %convert_element_type3A_176 = arith.extui %eq3A_175 : vector<512x1024xi1> to vector<512x1024xi32>
    %convert_element_type3A_177 = arith.sitofp %convert_element_type3A_176 : vector<512x1024xi32> to vector<512x1024xf32>
    %sub3A_178 = vector.broadcast %broadcast_in_dim3A_164 : vector<512x1xf32> to vector<512x1024xf32>
    %sub3A_179 = arith.subf %dot_general3A_162, %sub3A_178 : vector<512x1024xf32>
    %exp3A = math.exp %sub3A_179 : vector<512x1024xf32>
    %reduce_sum3A_180 = arith.constant dense<0.000000e+00> : vector<512xf32>
    %reduce_sum3A_181 = vector.multi_reduction <add>, %exp3A, %reduce_sum3A_180 [1] : vector<512x1024xf32> to vector<512xf32>
    %broadcast_in_dim3A_182 = vector.shape_cast %reduce_sum3A_181 : vector<512xf32> to vector<512x1xf32>
    %div3A_183 = vector.broadcast %broadcast_in_dim3A_182 : vector<512x1xf32> to vector<512x1024xf32>
    %div3A_184 = arith.divf %exp3A, %div3A_183 : vector<512x1024xf32>
    %reduce_sum3A_185 = arith.constant dense<0.000000e+00> : vector<1024xf32>
    %reduce_sum3A_186 = vector.multi_reduction <add>, %div3A_184, %reduce_sum3A_185 [0] : vector<512x1024xf32> to vector<1024xf32>
    %broadcast_in_dim3A_187 = vector.shape_cast %reduce_sum3A_186 : vector<1024xf32> to vector<1x1024xf32>
    %get3A_188 = arith.constant 0 : index
    %get3A_189 = arith.constant 0 : index
    %get3A_190 = vector.load %arg25[%get3A_188, %get3A_189] : memref<1x1024xf32, #tpu.memory_space<vmem>>, vector<1x1024xf32>
    %sub3A_191 = arith.subf %broadcast_in_dim3A_187, %get3A_190 : vector<1x1024xf32>
    %get3A_192 = arith.constant 0 : index
    %get3A_193 = arith.constant 0 : index
    %get3A_194 = vector.load %arg24[%get3A_192, %get3A_193] : memref<1x1024xf32, #tpu.memory_space<vmem>>, vector<1x1024xf32>
    %add3A_195 = arith.addf %get3A_194, %sub3A_191 : vector<1x1024xf32>
    %get3A_196 = arith.constant 0 : index
    %get3A_197 = arith.constant 0 : index
    %get3A_198 = vector.load %arg24[%get3A_196, %get3A_197] : memref<1x1024xf32, #tpu.memory_space<vmem>>, vector<1x1024xf32>
    %sub3A_199 = arith.subf %add3A_195, %get3A_198 : vector<1x1024xf32>
    %sub3A_200 = arith.subf %sub3A_199, %sub3A_191 : vector<1x1024xf32>
    %swap3A_201 = arith.constant 0 : index
    %swap3A_202 = arith.constant 0 : index
    %swap3A_203 = vector.load %arg25[%swap3A_201, %swap3A_202] : memref<1x1024xf32, #tpu.memory_space<vmem>>, vector<1x1024xf32>
    tpu.vector_store %arg25[%swap3A_201, %swap3A_202], %sub3A_200 {strides = array<i32>} : memref<1x1024xf32, #tpu.memory_space<vmem>>, vector<1x1024xf32>,
    %swap3A_204 = arith.constant 0 : index
    %swap3A_205 = arith.constant 0 : index
    %swap3A_206 = vector.load %arg24[%swap3A_204, %swap3A_205] : memref<1x1024xf32, #tpu.memory_space<vmem>>, vector<1x1024xf32>
    tpu.vector_store %arg24[%swap3A_204, %swap3A_205], %add3A_195 {strides = array<i32>} : memref<1x1024xf32, #tpu.memory_space<vmem>>, vector<1x1024xf32>,
    %get3A_207 = arith.constant 0 : index
    %get3A_208 = arith.constant 0 : index
    %get3A_209 = vector.load %arg18[%get3A_207, %get3A_208] : memref<1x1024xf32, #tpu.memory_space<vmem>>, vector<1x1024xf32>
    %reduce_sum3A_210 = arith.constant dense<0.000000e+00> : vector<1024xf32>
    %reduce_sum3A_211 = vector.multi_reduction <add>, %convert_element_type3A_177, %reduce_sum3A_210 [0] : vector<512x1024xf32> to vector<1024xf32>
    %broadcast_in_dim3A_212 = vector.shape_cast %reduce_sum3A_211 : vector<1024xf32> to vector<1x1024xf32>
    %add3A_213 = arith.addf %get3A_209, %broadcast_in_dim3A_212 : vector<1x1024xf32>
    %swap3A_214 = arith.constant 0 : index
    %swap3A_215 = arith.constant 0 : index
    %swap3A_216 = vector.load %arg18[%swap3A_214, %swap3A_215] : memref<1x1024xf32, #tpu.memory_space<vmem>>, vector<1x1024xf32>
    tpu.vector_store %arg18[%swap3A_214, %swap3A_215], %add3A_213 {strides = array<i32>} : memref<1x1024xf32, #tpu.memory_space<vmem>>, vector<1x1024xf32>,
    %get3A_217 = arith.constant 0 : index
    %get3A_218 = arith.constant 0 : index
    %get3A_219 = vector.load %arg15[%get3A_217, %get3A_218] : memref<1024x896xf32, #tpu.memory_space<vmem>>, vector<1024x896xf32>
    %dot_general3A_220 = arith.constant dense<0.000000e+00> : vector<512x896xf32>
    %dot_general3A_221 = tpu.matmul %convert_element_type3A_177, %get3A_219, %dot_general3A_220 {dimension_numbers = #tpu.dot_dimension_numbers<[1], [0], [0], [1], [0, 0, 1, 1], [], []>, transpose_lhs_hint = false} : vector<512x1024xf32>, vector<1024x896xf32>, vector<512x896xf32> -> vector<512x896xf32>
    %slice3A = vector.extract_strided_slice %dot_general3A_221 {offsets = [0, 0], sizes = [512, 768], strides = [1, 1]} : vector<512x896xf32> to vector<512x768xf32>
    %slice3A_222 = vector.extract_strided_slice %dot_general3A_221 {offsets = [0, 768], sizes = [512, 1], strides = [1, 1]} : vector<512x896xf32> to vector<512x1xf32>
    %mul3A_223 = arith.mulf %get3A_3, %get3A_3 : vector<512x768xf32>
    %reduce_sum3A_224 = arith.constant dense<0.000000e+00> : vector<512xf32>
    %reduce_sum3A_225 = vector.multi_reduction <add>, %mul3A_223, %reduce_sum3A_224 [1] : vector<512x768xf32> to vector<512xf32>
    %broadcast_in_dim3A_226 = vector.shape_cast %reduce_sum3A_225 : vector<512xf32> to vector<512x1xf32>
    %sqrt3A_227 = math.sqrt %broadcast_in_dim3A_226 : vector<512x1xf32>
    %mul3A_228 = arith.mulf %slice3A, %get3A_3 : vector<512x768xf32>
    %reduce_sum3A_229 = arith.constant dense<0.000000e+00> : vector<512xf32>
    %reduce_sum3A_230 = vector.multi_reduction <add>, %mul3A_228, %reduce_sum3A_229 [1] : vector<512x768xf32> to vector<512xf32>
    %broadcast_in_dim3A_231 = vector.shape_cast %reduce_sum3A_230 : vector<512xf32> to vector<512x1xf32>
    %max3A_232 = arith.constant 9.99999997E-7 : f32
    %max3A_233 = vector.broadcast %max3A_232 : f32 to vector<512x1xf32>
    %max3A_234 = arith.maximumf %sqrt3A_227, %max3A_233 : vector<512x1xf32>
    %mul3A_235 = arith.mulf %slice3A_222, %max3A_234 : vector<512x1xf32>
    %div3A_236 = arith.divf %broadcast_in_dim3A_231, %mul3A_235 : vector<512x1xf32>
    %get3A_237 = arith.constant 0 : index
    %get3A_238 = arith.constant 0 : index
    %get3A_239 = vector.load %arg26[%get3A_237, %get3A_238] : memref<1x1xf32, #tpu.memory_space<vmem>>, vector<1x1xf32>
    %reduce_sum3A_240 = arith.constant dense<0.000000e+00> : vector<1xf32>
    %reduce_sum3A_241 = vector.multi_reduction <add>, %broadcast_in_dim3A_164, %reduce_sum3A_240 [0] : vector<512x1xf32> to vector<1xf32>
    %broadcast_in_dim3A_242 = vector.shape_cast %reduce_sum3A_241 : vector<1xf32> to vector<1x1xf32>
    %add3A_243 = arith.addf %get3A_239, %broadcast_in_dim3A_242 : vector<1x1xf32>
    %swap3A_244 = arith.constant 0 : index
    %swap3A_245 = arith.constant 0 : index
    %swap3A_246 = vector.load %arg26[%swap3A_244, %swap3A_245] : memref<1x1xf32, #tpu.memory_space<vmem>>, vector<1x1xf32>
    tpu.vector_store %arg26[%swap3A_244, %swap3A_245], %add3A_243 {strides = array<i32>} : memref<1x1xf32, #tpu.memory_space<vmem>>, vector<1x1xf32>,
    %get3A_247 = arith.constant 0 : index
    %get3A_248 = arith.constant 0 : index
    %get3A_249 = vector.load %arg27[%get3A_247, %get3A_248] : memref<1x1xf32, #tpu.memory_space<vmem>>, vector<1x1xf32>
    %reduce_sum3A_250 = arith.constant dense<0.000000e+00> : vector<1xf32>
    %reduce_sum3A_251 = vector.multi_reduction <add>, %div3A_236, %reduce_sum3A_250 [0] : vector<512x1xf32> to vector<1xf32>
    %broadcast_in_dim3A_252 = vector.shape_cast %reduce_sum3A_251 : vector<1xf32> to vector<1x1xf32>
    %add3A_253 = arith.addf %get3A_249, %broadcast_in_dim3A_252 : vector<1x1xf32>
    %swap3A_254 = arith.constant 0 : index
    %swap3A_255 = arith.constant 0 : index
    %swap3A_256 = vector.load %arg27[%swap3A_254, %swap3A_255] : memref<1x1xf32, #tpu.memory_space<vmem>>, vector<1x1xf32>
    tpu.vector_store %arg27[%swap3A_254, %swap3A_255], %add3A_253 {strides = array<i32>} : memref<1x1xf32, #tpu.memory_space<vmem>>, vector<1x1xf32>,
    %get3A_257 = arith.constant 0 : index
    %get3A_258 = arith.constant 0 : index
    %get3A_259 = vector.load %arg28[%get3A_257, %get3A_258] : memref<1x1xf32, #tpu.memory_space<vmem>>, vector<1x1xf32>
    %reduce_sum3A_260 = arith.constant dense<0.000000e+00> : vector<1xf32>
    %reduce_sum3A_261 = vector.multi_reduction <add>, %broadcast_in_dim3A_231, %reduce_sum3A_260 [0] : vector<512x1xf32> to vector<1xf32>
    %broadcast_in_dim3A_262 = vector.shape_cast %reduce_sum3A_261 : vector<1xf32> to vector<1x1xf32>
    %add3A_263 = arith.addf %get3A_259, %broadcast_in_dim3A_262 : vector<1x1xf32>
    %swap3A_264 = arith.constant 0 : index
    %swap3A_265 = arith.constant 0 : index
    %swap3A_266 = vector.load %arg28[%swap3A_264, %swap3A_265] : memref<1x1xf32, #tpu.memory_space<vmem>>, vector<1x1xf32>
    tpu.vector_store %arg28[%swap3A_264, %swap3A_265], %add3A_263 {strides = array<i32>} : memref<1x1xf32, #tpu.memory_space<vmem>>, vector<1x1xf32>,
    %get3A_267 = arith.constant 0 : index
    %get3A_268 = arith.constant 0 : index
    %get3A_269 = vector.load %arg29[%get3A_267, %get3A_268] : memref<1x1xf32, #tpu.memory_space<vmem>>, vector<1x1xf32>
    %reduce_sum3A_270 = arith.constant dense<0.000000e+00> : vector<1xf32>
    %reduce_sum3A_271 = vector.multi_reduction <add>, %broadcast_in_dim3A_226, %reduce_sum3A_270 [0] : vector<512x1xf32> to vector<1xf32>
    %broadcast_in_dim3A_272 = vector.shape_cast %reduce_sum3A_271 : vector<1xf32> to vector<1x1xf32>
    %add3A_273 = arith.addf %get3A_269, %broadcast_in_dim3A_272 : vector<1x1xf32>
    %swap3A_274 = arith.constant 0 : index
    %swap3A_275 = arith.constant 0 : index
    %swap3A_276 = vector.load %arg29[%swap3A_274, %swap3A_275] : memref<1x1xf32, #tpu.memory_space<vmem>>, vector<1x1xf32>
    tpu.vector_store %arg29[%swap3A_274, %swap3A_275], %add3A_273 {strides = array<i32>} : memref<1x1xf32, #tpu.memory_space<vmem>>, vector<1x1xf32>,
    %eq3A_277 = arith.constant 17 : i32
    %eq3A_278 = arith.cmpi eq, %arg0, %eq3A_277 : i32
    %convert_element_type3A_279 = arith.extui %eq3A_278 : i1 to i32
    %cond3A_280 = arith.constant 0 : i32
    %cond3A_281 = arith.cmpi ne, %convert_element_type3A_279, %cond3A_280 : i32
    scf.if %cond3A_281 {
      %get3A_282 = arith.constant 0 : index
      %get3A_283 = arith.constant 0 : index
      %get3A_284 = vector.load %arg24[%get3A_282, %get3A_283] : memref<1x1024xf32, #tpu.memory_space<vmem>>, vector<1x1024xf32>
      %swap3A_285 = arith.constant 0 : index
      %swap3A_286 = arith.constant 0 : index
      %swap3A_287 = vector.load %arg19[%swap3A_285, %swap3A_286] : memref<1x1024xf32, #tpu.memory_space<vmem>>, vector<1x1024xf32>
      tpu.vector_store %arg19[%swap3A_285, %swap3A_286], %get3A_284 {strides = array<i32>} : memref<1x1024xf32, #tpu.memory_space<vmem>>, vector<1x1024xf32>,
      %get3A_288 = arith.constant 0 : index
      %get3A_289 = arith.constant 0 : index
      %get3A_290 = vector.load %arg26[%get3A_288, %get3A_289] : memref<1x1xf32, #tpu.memory_space<vmem>>, vector<1x1xf32>
      %swap3A_291 = arith.constant 0 : index
      %swap3A_292 = arith.constant 0 : index
      %swap3A_293 = vector.load %arg20[%swap3A_291, %swap3A_292] : memref<1x1xf32, #tpu.memory_space<vmem>>, vector<1x1xf32>
      tpu.vector_store %arg20[%swap3A_291, %swap3A_292], %get3A_290 {strides = array<i32>} : memref<1x1xf32, #tpu.memory_space<vmem>>, vector<1x1xf32>,
      %get3A_294 = arith.constant 0 : index
      %get3A_295 = arith.constant 0 : index
      %get3A_296 = vector.load %arg27[%get3A_294, %get3A_295] : memref<1x1xf32, #tpu.memory_space<vmem>>, vector<1x1xf32>
      %swap3A_297 = arith.constant 0 : index
      %swap3A_298 = arith.constant 0 : index
      %swap3A_299 = vector.load %arg21[%swap3A_297, %swap3A_298] : memref<1x1xf32, #tpu.memory_space<vmem>>, vector<1x1xf32>
      tpu.vector_store %arg21[%swap3A_297, %swap3A_298], %get3A_296 {strides = array<i32>} : memref<1x1xf32, #tpu.memory_space<vmem>>, vector<1x1xf32>,
      %get3A_300 = arith.constant 0 : index
      %get3A_301 = arith.constant 0 : index
      %get3A_302 = vector.load %arg28[%get3A_300, %get3A_301] : memref<1x1xf32, #tpu.memory_space<vmem>>, vector<1x1xf32>
      %swap3A_303 = arith.constant 0 : index
      %swap3A_304 = arith.constant 0 : index
      %swap3A_305 = vector.load %arg22[%swap3A_303, %swap3A_304] : memref<1x1xf32, #tpu.memory_space<vmem>>, vector<1x1xf32>
      tpu.vector_store %arg22[%swap3A_303, %swap3A_304], %get3A_302 {strides = array<i32>} : memref<1x1xf32, #tpu.memory_space<vmem>>, vector<1x1xf32>,
      %get3A_306 = arith.constant 0 : index
      %get3A_307 = arith.constant 0 : index
      %get3A_308 = vector.load %arg29[%get3A_306, %get3A_307] : memref<1x1xf32, #tpu.memory_space<vmem>>, vector<1x1xf32>
      %swap3A_309 = arith.constant 0 : index
      %swap3A_310 = arith.constant 0 : index
      %swap3A_311 = vector.load %arg23[%swap3A_309, %swap3A_310] : memref<1x1xf32, #tpu.memory_space<vmem>>, vector<1x1xf32>
      tpu.vector_store %arg23[%swap3A_309, %swap3A_310], %get3A_308 {strides = array<i32>} : memref<1x1xf32, #tpu.memory_space<vmem>>, vector<1x1xf32>,
    } else {
    }
    return
  }
  func.func @transform_0(%arg0: i32) -> (i32, i32) {
    %add3A = arith.constant 0 : i32
    %add3A_0 = arith.addi %arg0, %add3A : i32
    %c0_i32 = arith.constant 0 : i32
    %c0_i32_1 = arith.constant 0 : i32
    return %add3A_0, %c0_i32 : i32, i32
  }
  func.func @transform_1(%arg0: i32) -> (i32, i32) {
    %c0_i32 = arith.constant 0 : i32
    %c0_i32_0 = arith.constant 0 : i32
    %c0_i32_1 = arith.constant 0 : i32
    return %c0_i32, %c0_i32_0 : i32, i32
  }
  func.func @transform_2(%arg0: i32) -> (i32, i32) {
    %c0_i32 = arith.constant 0 : i32
    %c0_i32_0 = arith.constant 0 : i32
    %c0_i32_1 = arith.constant 0 : i32
    return %c0_i32, %c0_i32_0 : i32, i32
  }
  func.func @transform_3(%arg0: i32) -> (i32, i32) {
    %c0_i32 = arith.constant 0 : i32
    %c0_i32_0 = arith.constant 0 : i32
    %c0_i32_1 = arith.constant 0 : i32
    return %c0_i32, %c0_i32_0 : i32, i32
  }
  func.func @transform_4(%arg0: i32) -> (i32, i32) {
    %c0_i32 = arith.constant 0 : i32
    %c0_i32_0 = arith.constant 0 : i32
    %c0_i32_1 = arith.constant 0 : i32
    return %c0_i32, %c0_i32_0 : i32, i32
  }
  func.func @transform_5(%arg0: i32) -> (i32, i32) {
    %c0_i32 = arith.constant 0 : i32
    %c0_i32_0 = arith.constant 0 : i32
    %c0_i32_1 = arith.constant 0 : i32
    return %c0_i32, %c0_i32_0 : i32, i32
  }
  func.func @transform_6(%arg0: i32) -> (i32, i32) {
    %c0_i32 = arith.constant 0 : i32
    %c0_i32_0 = arith.constant 0 : i32
    %c0_i32_1 = arith.constant 0 : i32
    return %c0_i32, %c0_i32_0 : i32, i32
  }
  func.func @transform_7(%arg0: i32) -> (i32, i32) {
    %c0_i32 = arith.constant 0 : i32
    %c0_i32_0 = arith.constant 0 : i32
    %c0_i32_1 = arith.constant 0 : i32
    return %c0_i32, %c0_i32_0 : i32, i32
  }
  func.func @transform_8(%arg0: i32) -> (i32, i32) {
    %c0_i32 = arith.constant 0 : i32
    %c0_i32_0 = arith.constant 0 : i32
    %c0_i32_1 = arith.constant 0 : i32
    return %c0_i32, %c0_i32_0 : i32, i32
  }
  func.func @transform_9(%arg0: i32) -> (i32, i32) {
    %c0_i32 = arith.constant 0 : i32
    %c0_i32_0 = arith.constant 0 : i32
    %c0_i32_1 = arith.constant 0 : i32
    return %c0_i32, %c0_i32_0 : i32, i32
  }
  func.func @transform_10(%arg0: i32) -> (i32, i32) {
    %c0_i32 = arith.constant 0 : i32
    %c0_i32_0 = arith.constant 0 : i32
    %c0_i32_1 = arith.constant 0 : i32
    return %c0_i32, %c0_i32_0 : i32, i32
  }
  func.func @transform_11(%arg0: i32) -> (i32, i32) {
    %c0_i32 = arith.constant 0 : i32
    %c0_i32_0 = arith.constant 0 : i32
    %c0_i32_1 = arith.constant 0 : i32
    return %c0_i32, %c0_i32_0 : i32, i32
  }
  func.func @transform_12(%arg0: i32) -> (i32, i32) {
    %c0_i32 = arith.constant 0 : i32
    %c0_i32_0 = arith.constant 0 : i32
    %c0_i32_1 = arith.constant 0 : i32
    return %c0_i32, %c0_i32_0 : i32, i32
  }
  func.func @transform_13(%arg0: i32) -> (i32, i32) {
    %c0_i32 = arith.constant 0 : i32
    %c0_i32_0 = arith.constant 0 : i32
    %c0_i32_1 = arith.constant 0 : i32
    return %c0_i32, %c0_i32_0 : i32, i32
  }
  func.func @transform_14(%arg0: i32) -> (i32, i32) {
    %c0_i32 = arith.constant 0 : i32
    %c0_i32_0 = arith.constant 0 : i32
    %c0_i32_1 = arith.constant 0 : i32
    return %c0_i32, %c0_i32_0 : i32, i32
  }
  func.func @transform_15(%arg0: i32) -> (i32, i32) {
    %add3A = arith.constant 0 : i32
    %add3A_0 = arith.addi %arg0, %add3A : i32
    %c0_i32 = arith.constant 0 : i32
    %c0_i32_1 = arith.constant 0 : i32
    return %add3A_0, %c0_i32 : i32, i32
  }
  func.func @transform_16(%arg0: i32) -> (i32, i32) {
    %c0_i32 = arith.constant 0 : i32
    %c0_i32_0 = arith.constant 0 : i32
    return %arg0, %c0_i32 : i32, i32
  }
  func.func @transform_17(%arg0: i32) -> (i32, i32) {
    %c0_i32 = arith.constant 0 : i32
    %c0_i32_0 = arith.constant 0 : i32
    %c0_i32_1 = arith.constant 0 : i32
    return %c0_i32, %c0_i32_0 : i32, i32
  }
  func.func @transform_18(%arg0: i32) -> (i32, i32) {
    %c0_i32 = arith.constant 0 : i32
    %c0_i32_0 = arith.constant 0 : i32
    %c0_i32_1 = arith.constant 0 : i32
    return %c0_i32, %c0_i32_0 : i32, i32
  }
  func.func @transform_19(%arg0: i32) -> (i32, i32) {
    %c0_i32 = arith.constant 0 : i32
    %c0_i32_0 = arith.constant 0 : i32
    %c0_i32_1 = arith.constant 0 : i32
    return %c0_i32, %c0_i32_0 : i32, i32
  }
  func.func @transform_20(%arg0: i32) -> (i32, i32) {
    %c0_i32 = arith.constant 0 : i32
    %c0_i32_0 = arith.constant 0 : i32
    %c0_i32_1 = arith.constant 0 : i32
    return %c0_i32, %c0_i32_0 : i32, i32
  }
  func.func @transform_21(%arg0: i32) -> (i32, i32) {
    %c0_i32 = arith.constant 0 : i32
    %c0_i32_0 = arith.constant 0 : i32
    %c0_i32_1 = arith.constant 0 : i32
    return %c0_i32, %c0_i32_0 : i32, i32
  }
  func.func @transform_22(%arg0: i32) -> (i32, i32) {
    %c0_i32 = arith.constant 0 : i32
    %c0_i32_0 = arith.constant 0 : i32
    %c0_i32_1 = arith.constant 0 : i32
    return %c0_i32, %c0_i32_0 : i32, i32
  }
}

module attributes {stable_mosaic.version = 14 : i64} {
  func.func @_epilogue_kernel(%arg0: memref<1024x1xf32, #tpu.memory_space<vmem>>, %arg1: memref<1x1024xf32, #tpu.memory_space<vmem>>, %arg2: memref<1x1024xf32, #tpu.memory_space<vmem>>, %arg3: memref<1x1024xf32, #tpu.memory_space<vmem>>, %arg4: memref<1x1024xf32, #tpu.memory_space<vmem>>, %arg5: memref<1x1xf32, #tpu.memory_space<vmem>>, %arg6: memref<1x1xf32, #tpu.memory_space<vmem>>, %arg7: memref<1x1xf32, #tpu.memory_space<vmem>>, %arg8: memref<1x1xf32, #tpu.memory_space<vmem>>, %arg9: memref<1x1xf32, #tpu.memory_space<vmem>>, %arg10: memref<1x1xf32, #tpu.memory_space<vmem>>, %arg11: memref<1x1xf32, #tpu.memory_space<vmem>>, %arg12: memref<1x1xf32, #tpu.memory_space<vmem>>, %arg13: memref<1x1xf32, #tpu.memory_space<vmem>>, %arg14: memref<1x1xf32, #tpu.memory_space<vmem>>, %arg15: memref<1x1xf32, #tpu.memory_space<vmem>>, %arg16: memref<1x1xf32, #tpu.memory_space<vmem>>, %arg17: memref<1x1xf32, #tpu.memory_space<vmem>>) attributes {dimension_semantics = [], scalar_prefetch = 0 : i64, scratch_operands = 0 : i64, tpu.core_type = #tpu.core_type<tc>} {
    %get3A = arith.constant 0 : index
    %get3A_0 = arith.constant 0 : index
    %get3A_1 = vector.load %arg1[%get3A, %get3A_0] : memref<1x1024xf32, #tpu.memory_space<vmem>>, vector<1x1024xf32>
    %get3A_2 = arith.constant 0 : index
    %get3A_3 = arith.constant 0 : index
    %get3A_4 = vector.load %arg2[%get3A_2, %get3A_3] : memref<1x1024xf32, #tpu.memory_space<vmem>>, vector<1x1024xf32>
    %add3A = arith.addf %get3A_1, %get3A_4 : vector<1x1024xf32>
    %get3A_5 = arith.constant 0 : index
    %get3A_6 = arith.constant 0 : index
    %get3A_7 = vector.load %arg3[%get3A_5, %get3A_6] : memref<1x1024xf32, #tpu.memory_space<vmem>>, vector<1x1024xf32>
    %get3A_8 = arith.constant 0 : index
    %get3A_9 = arith.constant 0 : index
    %get3A_10 = vector.load %arg4[%get3A_8, %get3A_9] : memref<1x1024xf32, #tpu.memory_space<vmem>>, vector<1x1024xf32>
    %add3A_11 = arith.addf %get3A_7, %get3A_10 : vector<1x1024xf32>
    %get3A_12 = arith.constant 0 : index
    %get3A_13 = arith.constant 0 : index
    %get3A_14 = vector.load %arg0[%get3A_12, %get3A_13] : memref<1024x1xf32, #tpu.memory_space<vmem>>, vector<1024x1xf32>
    %dot_general3A = arith.constant dense<0.000000e+00> : vector<1x1xf32>
    %dot_general3A_15 = tpu.matmul %add3A, %get3A_14, %dot_general3A {dimension_numbers = #tpu.dot_dimension_numbers<[1], [0], [0], [1], [0, 0, 1, 1], [], []>, transpose_lhs_hint = false} : vector<1x1024xf32>, vector<1024x1xf32>, vector<1x1xf32> -> vector<1x1xf32>
    %get3A_16 = arith.constant 0 : index
    %get3A_17 = arith.constant 0 : index
    %get3A_18 = vector.load %arg9[%get3A_16, %get3A_17] : memref<1x1xf32, #tpu.memory_space<vmem>>, vector<1x1xf32>
    %get3A_19 = arith.constant 0 : index
    %get3A_20 = arith.constant 0 : index
    %get3A_21 = vector.load %arg10[%get3A_19, %get3A_20] : memref<1x1xf32, #tpu.memory_space<vmem>>, vector<1x1xf32>
    %add3A_22 = arith.addf %get3A_18, %get3A_21 : vector<1x1xf32>
    %mul3A = arith.constant 2.000000e+00 : f32
    %mul3A_23 = vector.broadcast %mul3A : f32 to vector<1x1xf32>
    %mul3A_24 = arith.mulf %mul3A_23, %add3A_22 : vector<1x1xf32>
    %sub3A = arith.subf %dot_general3A_15, %mul3A_24 : vector<1x1xf32>
    %get3A_25 = arith.constant 0 : index
    %get3A_26 = arith.constant 0 : index
    %get3A_27 = vector.load %arg11[%get3A_25, %get3A_26] : memref<1x1xf32, #tpu.memory_space<vmem>>, vector<1x1xf32>
    %add3A_28 = arith.addf %sub3A, %get3A_27 : vector<1x1xf32>
    %get3A_29 = arith.constant 0 : index
    %get3A_30 = arith.constant 0 : index
    %get3A_31 = vector.load %arg12[%get3A_29, %get3A_30] : memref<1x1xf32, #tpu.memory_space<vmem>>, vector<1x1xf32>
    %add3A_32 = arith.addf %add3A_28, %get3A_31 : vector<1x1xf32>
    %get3A_33 = arith.constant 0 : index
    %get3A_34 = arith.constant 0 : index
    %get3A_35 = vector.load %arg7[%get3A_33, %get3A_34] : memref<1x1xf32, #tpu.memory_space<vmem>>, vector<1x1xf32>
    %get3A_36 = arith.constant 0 : index
    %get3A_37 = arith.constant 0 : index
    %get3A_38 = vector.load %arg8[%get3A_36, %get3A_37] : memref<1x1xf32, #tpu.memory_space<vmem>>, vector<1x1xf32>
    %add3A_39 = arith.addf %get3A_35, %get3A_38 : vector<1x1xf32>
    %div3A = arith.constant 1.843200e+04 : f32
    %div3A_40 = vector.broadcast %div3A : f32 to vector<1x1xf32>
    %div3A_41 = arith.divf %add3A_39, %div3A_40 : vector<1x1xf32>
    %sub3A_42 = arith.constant 1.000000e+00 : f32
    %sub3A_43 = vector.broadcast %sub3A_42 : f32 to vector<1x1xf32>
    %sub3A_44 = arith.subf %sub3A_43, %div3A_41 : vector<1x1xf32>
    %mul3A_45 = arith.constant 1.000000e-03 : f32
    %mul3A_46 = vector.broadcast %mul3A_45 : f32 to vector<1x1xf32>
    %mul3A_47 = arith.mulf %mul3A_46, %add3A_32 : vector<1x1xf32>
    %mul3A_48 = arith.constant 1.843200e+04 : f32
    %mul3A_49 = arith.constant 7.680000e+02 : f32
    %mul3A_50 = arith.mulf %mul3A_48, %mul3A_49 : f32
    %div3A_51 = vector.broadcast %mul3A_50 : f32 to vector<1x1xf32>
    %div3A_52 = arith.divf %mul3A_47, %div3A_51 : vector<1x1xf32>
    %add3A_53 = arith.addf %sub3A_44, %div3A_52 : vector<1x1xf32>
    %swap3A = arith.constant 0 : index
    %swap3A_54 = arith.constant 0 : index
    %swap3A_55 = vector.load %arg13[%swap3A, %swap3A_54] : memref<1x1xf32, #tpu.memory_space<vmem>>, vector<1x1xf32>
    tpu.vector_store %arg13[%swap3A, %swap3A_54], %add3A_53 {strides = array<i32>} : memref<1x1xf32, #tpu.memory_space<vmem>>, vector<1x1xf32>,
    %get3A_56 = arith.constant 0 : index
    %get3A_57 = arith.constant 0 : index
    %get3A_58 = vector.load %arg5[%get3A_56, %get3A_57] : memref<1x1xf32, #tpu.memory_space<vmem>>, vector<1x1xf32>
    %get3A_59 = arith.constant 0 : index
    %get3A_60 = arith.constant 0 : index
    %get3A_61 = vector.load %arg6[%get3A_59, %get3A_60] : memref<1x1xf32, #tpu.memory_space<vmem>>, vector<1x1xf32>
    %add3A_62 = arith.addf %get3A_58, %get3A_61 : vector<1x1xf32>
    %div3A_63 = arith.constant 1.843200e+04 : f32
    %div3A_64 = vector.broadcast %div3A_63 : f32 to vector<1x1xf32>
    %div3A_65 = arith.divf %add3A_62, %div3A_64 : vector<1x1xf32>
    %sub3A_66 = arith.constant 1.000000e+00 : f32
    %sub3A_67 = vector.broadcast %sub3A_66 : f32 to vector<1x1xf32>
    %sub3A_68 = arith.subf %sub3A_67, %div3A_65 : vector<1x1xf32>
    %mul3A_69 = arith.constant 1.250000e+00 : f32
    %mul3A_70 = vector.broadcast %mul3A_69 : f32 to vector<1x1xf32>
    %mul3A_71 = arith.mulf %mul3A_70, %sub3A_68 : vector<1x1xf32>
    %swap3A_72 = arith.constant 0 : index
    %swap3A_73 = arith.constant 0 : index
    %swap3A_74 = vector.load %arg14[%swap3A_72, %swap3A_73] : memref<1x1xf32, #tpu.memory_space<vmem>>, vector<1x1xf32>
    tpu.vector_store %arg14[%swap3A_72, %swap3A_73], %mul3A_71 {strides = array<i32>} : memref<1x1xf32, #tpu.memory_space<vmem>>, vector<1x1xf32>,
    %div3A_75 = arith.constant 1.843200e+04 : f32
    %div3A_76 = vector.broadcast %div3A_75 : f32 to vector<1x1024xf32>
    %div3A_77 = arith.divf %add3A, %div3A_76 : vector<1x1024xf32>
    %div3A_78 = arith.constant 1.843200e+04 : f32
    %div3A_79 = vector.broadcast %div3A_78 : f32 to vector<1x1024xf32>
    %div3A_80 = arith.divf %add3A_11, %div3A_79 : vector<1x1024xf32>
    %log3A = math.log %div3A_80 : vector<1x1024xf32>
    %log3A_81 = arith.constant 9.765625E-4 : f32
    %log3A_82 = math.log %log3A_81 : f32
    %sub3A_83 = vector.broadcast %log3A_82 : f32 to vector<1x1024xf32>
    %sub3A_84 = arith.subf %log3A, %sub3A_83 : vector<1x1024xf32>
    %mul3A_85 = arith.mulf %div3A_80, %sub3A_84 : vector<1x1024xf32>
    %reduce_sum3A = arith.constant dense<0.000000e+00> : vector<1xf32>
    %reduce_sum3A_86 = vector.multi_reduction <add>, %mul3A_85, %reduce_sum3A [1] : vector<1x1024xf32> to vector<1xf32>
    %broadcast_in_dim3A = vector.shape_cast %reduce_sum3A_86 : vector<1xf32> to vector<1x1xf32>
    %swap3A_87 = arith.constant 0 : index
    %swap3A_88 = arith.constant 0 : index
    %swap3A_89 = vector.load %arg15[%swap3A_87, %swap3A_88] : memref<1x1xf32, #tpu.memory_space<vmem>>, vector<1x1xf32>
    tpu.vector_store %arg15[%swap3A_87, %swap3A_88], %broadcast_in_dim3A {strides = array<i32>} : memref<1x1xf32, #tpu.memory_space<vmem>>, vector<1x1xf32>,
    %mul3A_90 = arith.mulf %div3A_77, %div3A_80 : vector<1x1024xf32>
    %reduce_sum3A_91 = arith.constant dense<0.000000e+00> : vector<1xf32>
    %reduce_sum3A_92 = vector.multi_reduction <add>, %mul3A_90, %reduce_sum3A_91 [1] : vector<1x1024xf32> to vector<1xf32>
    %broadcast_in_dim3A_93 = vector.shape_cast %reduce_sum3A_92 : vector<1xf32> to vector<1x1xf32>
    %swap3A_94 = arith.constant 0 : index
    %swap3A_95 = arith.constant 0 : index
    %swap3A_96 = vector.load %arg16[%swap3A_94, %swap3A_95] : memref<1x1xf32, #tpu.memory_space<vmem>>, vector<1x1xf32>
    tpu.vector_store %arg16[%swap3A_94, %swap3A_95], %broadcast_in_dim3A_93 {strides = array<i32>} : memref<1x1xf32, #tpu.memory_space<vmem>>, vector<1x1xf32>,
    %add3A_97 = arith.constant 9.99999997E-7 : f32
    %add3A_98 = vector.broadcast %add3A_97 : f32 to vector<1x1024xf32>
    %add3A_99 = arith.addf %div3A_77, %add3A_98 : vector<1x1024xf32>
    %log3A_100 = math.log %add3A_99 : vector<1x1024xf32>
    %mul3A_101 = arith.mulf %div3A_77, %log3A_100 : vector<1x1024xf32>
    %reduce_sum3A_102 = arith.constant dense<0.000000e+00> : vector<1xf32>
    %reduce_sum3A_103 = vector.multi_reduction <add>, %mul3A_101, %reduce_sum3A_102 [1] : vector<1x1024xf32> to vector<1xf32>
    %broadcast_in_dim3A_104 = vector.shape_cast %reduce_sum3A_103 : vector<1xf32> to vector<1x1xf32>
    %neg3A = arith.constant 0.000000e+00 : f32
    %neg3A_105 = vector.broadcast %neg3A : f32 to vector<1x1xf32>
    %neg3A_106 = arith.subf %neg3A_105, %broadcast_in_dim3A_104 : vector<1x1xf32>
    %exp3A = math.exp %neg3A_106 : vector<1x1xf32>
    %swap3A_107 = arith.constant 0 : index
    %swap3A_108 = arith.constant 0 : index
    %swap3A_109 = vector.load %arg17[%swap3A_107, %swap3A_108] : memref<1x1xf32, #tpu.memory_space<vmem>>, vector<1x1xf32>
    tpu.vector_store %arg17[%swap3A_107, %swap3A_108], %exp3A {strides = array<i32>} : memref<1x1xf32, #tpu.memory_space<vmem>>, vector<1x1xf32>,
    return
  }
}

</mosaic_0001>

<sc_bundles>
// kernel: kernel.11.cloned.1.call-start
scs
__scs_entry_jumppad:
0x0: {  	(pc) =	sbr.rel $0x88, $3  }
0x1: {  	(tag) =	ssettag $0x0;
	lr =	simm.s32 $0x1  }
0x2: {  	[smem:$0x3F87] =	sst lr;
	_ =	strace $0xD0000000  }
0x3: {  	_ = 	snop  }
0x4: {  	_ = 	snop  }
0x5: {  	_ = 	snop  }
0x6: {  	_ = 	snop  }
0x7: {  	_ = 	snop  }
__scs_overlays_trampoline_lowered:
0x8: {  	[smem:$0x3F96] =	sst s0  }
0x9: {  	[smem:$0x3F97] =	sst s1  }
0xa: {  	[smem:$0x3F98] =	sst s2  }
0xb: {  	[smem:$0x3F99] =	sst s3  }
0xc: {  	[smem:$0x3F9A] =	sst s4  }
0xd: {  	[smem:$0x3F9B] =	sst s5  }
0xe: {  	[smem:$0x3F9C] =	sst s6  }
0xf: {  	[smem:$0x3F9D] =	sst s7  }
0x10: {  	[smem:$0x3F9E] =	sst s8  }
0x11: {  	[smem:$0x3F9F] =	sst s9;
	s0 =	simm.s32 @!p0 $0x0  }
0x12: {  	s1 =	sld [smem:$0x3F85];
	s0 =	simm.s32 @p0 $0x1  }
0x13: {  	[smem:$0x3FA0] =	sst s0;
	s0 =	simm.s32 @!p1 $0x0  }
0x14: {  	s2 =	sld [smem:$0x3F84];
	s0 =	simm.s32 @p1 $0x1  }
0x15: {  	[smem:$0x3FA1] =	sst s0;
	s0 =	simm.s32 @!p2 $0x0  }
0x16: {  	s3 =	sld [smem:$0x3FDB];
	s0 =	simm.s32 @p2 $0x1  }
0x17: {  	s4 =	simm.s32 $0x1BF5;
	[smem:$0x3FA3] =	sst s0  }
0x18: {  	s0 =	sld [smem:$0x3F86];
	_ =	swait.ge [sflag:s4], $0x0  }
0x19: {  	s7 =	sld [smem:$0x3F87]  }
0x1a: {  	s8 =	sadd.s32 $0xFFFFE003, lr  }
0x1b: {  	s9 =	sadd.s32 $0xFFFFFEF7, lr;
	s5 =	simm.s32 $0xFFFFFFFF;
	p2 =	slt.u32 s8, $0xFFFFF086  }
0x1c: {  	p1 =	slt.u32 s9, $0xF7A;
	s5 =	simm.s32 @!p2 $0x0  }
0x1d: {  	s5 =	simm.s32 @p1 $0x1;
	p0 =	seq.s32 s7, s2  }
0x1e: {  	s7 =	smul.u32 @!p0 $0xF7A, s2;
	p2 =	seq.s32 @!p0 s5, $0x0  }
0x1f: {  	s9 =	smul.u32 $0xF7A, s1;
	s8 =	simm.s32 @!p0 $0x1BF5;
	p2 =	por !p2, p0  }
0x20: {  	[sflag:s8] =	ssyncset.s32 @!p0 $0xFFFFF086;
	s6 =	sadd.s32 @!p0 s3, s7;
	s7 =	simm.s32 @!p0 $0x108  }
0x21: {  	s3 =	sadd.s32 s3, s9;
	s6 =	sadd.s32 @!p0 $0x88, s6;
	s7 =	simm.s32 @p2 $0x1082  }
0x22: {  	[simem:s7], [sflag:s8] =	dma.local @!p0 [hbm:s6], $0xF7A  }
0x23: {  	s9 =	sor.u32 $0xD0000000, s2;
	s6 =	simm.s32 $0x108;
	_ =	swait.ge @!p0 [sflag:s8], $0x0  }
0x24: {  	s3 =	sadd.s32 $0x88, s3;
	s6 =	simm.s32 @!p1 $0x1082;
	[sflag:s4] =	ssyncset.s32 $0xFFFFF086  }
0x25: {  	[simem:s6], [sflag:s4] =	dma.local [hbm:s3], $0xF7A  }
0x26: {  	[smem:$0x3F87] =	sst s1;
	(tag) =	ssettag s2;
	_ =	strace s9  }
0x27: {  	s1 =	sld [smem:$0x3F97]  }
0x28: {  	s2 =	sld [smem:$0x3F98]  }
0x29: {  	s4 =	sld [smem:$0x3F9A]  }
0x2a: {  	p0 =	seq.s32 s5, $0x0;
	s5 =	sld [smem:$0x3F9B]  }
0x2b: {  	s6 =	sld [smem:$0x3F9C]  }
0x2c: {  	s7 =	sld [smem:$0x3F9D]  }
0x2d: {  	s3 =	simm.s32 $0x108;
	s8 =	sld [smem:$0x3F9E]  }
0x2e: {  	s3 =	simm.s32 @!p0 $0x1082;
	s9 =	sld [smem:$0x3F9F]  }
0x2f: {  	lr =	sadd.s32 s0, s3;
	s0 =	sld [smem:$0x3F96]  }
0x30: {  	s3 =	sld [smem:$0x3F99]  }
0x31: {  	[smem:$0x3FA2] =	sst s10  }
0x32: {  	s10 =	sld [smem:$0x3FA0];
	_ =	sdelay $0x3  }
0x33: {  	p0 =	seq.s32 s10, $0x1;
	s10 =	sld [smem:$0x3FA2];
	_ =	sdelay $0x3  }
0x34: {  	[smem:$0x3FA2] =	sst s10  }
0x35: {  	s10 =	sld [smem:$0x3FA1];
	_ =	sdelay $0x3  }
0x36: {  	p1 =	seq.s32 s10, $0x1;
	s10 =	sld [smem:$0x3FA2];
	_ =	sdelay $0x3  }
0x37: {  	[smem:$0x3FA2] =	sst s10  }
0x38: {  	s10 =	sld [smem:$0x3FA3]  }
0x39: {  	_ = 	snop;
	(pc) =	sbr.ind lr, $3  }
0x3a: {  	_ = 	snop  }
0x3b: {  	_ = 	snop  }
0x3c: {  	p2 =	seq.s32 s10, $0x1;
	s10 =	sld [smem:$0x3FA2]  }
0x3d: {  	_ =	shalt  }
0x3e: {  	_ =	shalt  }
0x3f: {  	_ =	shalt  }
0x40: {  	_ =	shalt  }
0x41: {  	_ =	shalt  }
0x42: {  	_ =	shalt  }
0x43: {  	_ =	shalt  }
0x44: {  	_ =	shalt  }
0x45: {  	_ =	shalt  }
0x46: {  	_ =	shalt  }
0x47: {  	_ =	shalt  }
0x48: {  	_ =	shalt  }
0x49: {  	_ =	shalt  }
0x4a: {  	_ =	shalt  }
0x4b: {  	_ =	shalt  }
0x4c: {  	_ =	shalt  }
0x4d: {  	_ =	shalt  }
0x4e: {  	_ =	shalt  }
0x4f: {  	_ =	shalt  }
0x50: {  	_ =	shalt  }
0x51: {  	_ =	shalt  }
0x52: {  	_ =	shalt  }
0x53: {  	_ =	shalt  }
0x54: {  	_ =	shalt  }
0x55: {  	_ =	shalt  }
0x56: {  	_ =	shalt  }
0x57: {  	_ =	shalt  }
0x58: {  	_ =	shalt  }
0x59: {  	_ =	shalt  }
0x5a: {  	_ =	shalt  }
0x5b: {  	_ =	shalt  }
0x5c: {  	_ =	shalt  }
0x5d: {  	_ =	shalt  }
0x5e: {  	_ =	shalt  }
0x5f: {  	_ =	shalt  }
0x60: {  	_ =	shalt  }
0x61: {  	_ =	shalt  }
0x62: {  	_ =	shalt  }
0x63: {  	_ =	shalt  }
0x64: {  	_ =	shalt  }
0x65: {  	_ =	shalt  }
0x66: {  	_ =	shalt  }
0x67: {  	_ =	shalt  }
0x68: {  	_ =	shalt  }
0x69: {  	_ =	shalt  }
0x6a: {  	_ =	shalt  }
0x6b: {  	_ =	shalt  }
0x6c: {  	_ =	shalt  }
0x6d: {  	_ =	shalt  }
0x6e: {  	_ =	shalt  }
0x6f: {  	_ =	shalt  }
0x70: {  	_ =	shalt  }
0x71: {  	_ =	shalt  }
0x72: {  	_ =	shalt  }
0x73: {  	_ =	shalt  }
0x74: {  	_ =	shalt  }
0x75: {  	_ =	shalt  }
0x76: {  	_ =	shalt  }
0x77: {  	_ =	shalt  }
0x78: {  	_ =	shalt  }
0x79: {  	_ =	shalt  }
0x7a: {  	_ =	shalt  }
0x7b: {  	_ =	shalt  }
0x7c: {  	_ =	shalt  }
0x7d: {  	_ =	shalt  }
0x7e: {  	_ =	shalt  }
0x7f: {  	_ =	shalt  }
0x80: {  	_ =	shalt  }
0x81: {  	_ =	shalt  }
0x82: {  	_ =	shalt  }
0x83: {  	_ =	shalt  }
0x84: {  	_ =	shalt  }
0x85: {  	_ =	shalt  }
0x86: {  	_ =	shalt  }
0x87: {  	_ =	shalt  }
.Lfunc_end0:
.L_simem_size_0:
called_computation.1_lowered:
.L_overlay_start_0:
0x88: {  	s2 =	sld [smem:$0x3FD9]  }
0x89: {  	s3 =	sld [smem:$0x3FFE];
	_ =	sdelay $0x1  }
0x8a: {  	s1 =	srdreg.scid  }
0x8b: {  	s0 =	sand.u32 $0x1, s1  }
0x8c: {  	s14 =	sshll.u32 s0, $0xA;
	s2 =	sadd.s32 s3, s2  }
0x8d: {  	s2 =	sadd.s32 s2, s14  }
0x8e: {  	[smem:$0x3FAE] =	sst s2  }
0x8f: {  	_ = 	snop  }
0x90: {  	s2 =	sld [smem:$0x3FD0];
	_ =	sdelay $0x2  }
0x91: {  	s15 =	simm.s32 $0xB;
	s4 =	simm.s32 $0x10  }
0x92: {  	[smem:s4], [sflag:s15] =	dma.local [hbm:s2], $0x1  }
0x93: {  	_ =	swait.eq [sflag:s15], $0x1  }
0x94: {  	[sflag:s15] =	ssyncset.done $0x0  }
0x95: {  	[sflag:s15] =	ssyncadd.s32 $0xFFFFFFFF  }
0x96: {  	s16 =	sld [smem:$0x10];
	(tm) =	ssettm $0x1  }
0x97: {  	s17 =	sld [smem:$0x3FFB];
	_ =	sdelay $0x3  }
0x98: {  	_ =	strace s17  }
0x99: {  	s3 =	sld [smem:$0x3FFC];
	_ =	sdelay $0x3  }
0x9a: {  	_ =	strace s3  }
0x9b: {  	s3 =	sld [smem:$0x3FFD];
	_ =	sdelay $0x3  }
0x9c: {  	_ =	strace s3  }
0x9d: {  	_ =	strace $0x8FFFFFFF  }
0x9e: {  	s18 =	sld [smem:$0x3FDB];
	_ =	sdelay $0x1  }
0x9f: {  	s19 =	simm.s32 $_scs_section_size  }
0xa0: {  	s5 =	simm.s32 $_size__tile_overlayer_lowered;
	s6 =	simm.s32 $_tile_overlayer_lowered  }
0xa1: {  	s22 =	simm.s32 $0x1BFF;
	s21 =	sshll.u32 s6, $0x1;
	s3 =	sadd.s32 s19, s18  }
0xa2: {  	s7 =	simm.s32 $0x0;
	s20 =	sshll.u32 s5, $0x1;
	s5 =	sadd.s32 s21, s3  }
0xa3: {  	[timem:s7], [sflag:s22] =	dma.local [hbm:s5], s20  }
0xa4: {  	_ =	swait.ge [sflag:s22], s20  }
0xa5: {  	s4 =	ssub.s32 $0x0, s20;
	[sflag:s22] =	ssyncset.done $0x0  }
0xa6: {  	[sflag:s22] =	ssyncadd.s32 s4;
	_ =	sdelay $0x1  }
0xa7: {  	s23 =	simm.s32 $0x1B8B  }
0xa8: {  	_ =	swait.ge [sflag:s23], $0x1  }
0xa9: {  	[sflag:s23] =	ssyncset.done $0x0  }
0xaa: {  	s25 =	simm.s32 $0x1B8E;
	s24 =	sld [smem:$0x3FFE];
	[sflag:s23] =	ssyncadd.s32 $0xFFFFFFFF  }
0xab: {  	s26 =	simm.s32 $execute0_lowered;
	[smem:$0x3FD2] =	sst s25  }
0xac: {  	s5 =	sshll.u32 s26, $0x1;
	_ =	strace $0x80000046;
	[dreg:$0x1] =	wrdreg $0xFFFFFFFF  }
0xad: {  	s28 =	simm.s32 $_size_execute0_lowered;
	s3 =	sadd.s32 s3, s5;
	[dreg:$0x0] =	wrdreg $0x0  }
0xae: {  	s5 =	sshll.u32 s28, $0x1;
	[dreg:$0x2] =	wrdreg s3  }
0xaf: {  	[dreg:$0x3] =	wrdreg s5  }
0xb0: {  	[dreg:$0x4] =	wrdreg $0xC0  }
0xb1: {  	_ =	task [dreg:s7], $0x5FFFF  }
0xb2: {  	[dreg:$0x1] =	wrdreg $0xFFFFFFFF  }
0xb3: {  	[dreg:$0x0] =	wrdreg $0x60  }
0xb4: {  	[dreg:$0x2] =	wrdreg s16  }
0xb5: {  	[dreg:$0x3] =	wrdreg s24  }
0xb6: {  	[dreg:$0x4] =	wrdreg $0xA  }
0xb7: {  	_ =	task.clear_ibuf [dreg:s7], $0x5FFFF;
	_ =	strace $0x90000046  }
0xb8: {  	s29 =	simm.s32 $0xA;
	_ =	strace $0x80000048  }
0xb9: {  	_ =	swait.ge [sflag:s29], $0x1  }
0xba: {  	[sflag:s29] =	ssyncadd.s32 $0xFFFFFFFF  }
0xbb: {  	_ =	strace $0x90000048  }
0xbc: {  	_ =	sfence  }
0xbd: {  	s30 =	sld [smem:$0x0];
	_ =	sdelay $0x2  }
0xbe: {  	s31 =	sshll.u32 s1, $0xD;
	s1 =	sshrl.u32 s1, $0x2  }
0xbf: {  	s3 =	sand.u32 $0x4000, s31;
	s1 =	sadd.s32 s1, s30  }
0xc0: {  	s0 =	sor.u32 s3, s0;
	s1 =	sshll.u32 s1, $0x11  }
0xc1: {  	s0 =	sor.u32 s1, s0  }
0xc2: {  	s0 =	sadd.s32 $0x8F2B, s0  }
0xc3: {  	[sflag:s0] =	ssyncadd.remote.s32 $0x1  }
0xc4: {  	_ =	sfence.sel $0xFFFF  }
0xc5: {  	[dreg:$0x0] =	wrdreg $0xFFFFFFFF;
	(pc) =	sbr.abs _section_cstart, $3  }
0xc6: {  	[dreg:$0x1] =	wrdreg $0xFFFFFFFF  }
0xc7: {  	_ =	task.clear_ibuf [dreg:s7], $0x2FFFF;
	_ =	strace $0x9FFFFFFF  }
0xc8: {  	(tm) =	ssettm $0x7FFFFFFF  }
0xc9: {  	_ =	shalt  }
tec
execute0_lowered:
.L_overlay_start_1:
0x0: {  	(tag) =	ssettag $0x1  }
0x1: {  	s0 =	srdreg.scid;
	s5 =	stileid.u32  }
0x2: {  	s0 =	sand.u32 $0x1, s0;
	s1 =	smul.u32 $0x240, s5  }
0x3: {  	s4 =	rddreg [dreg:$0x1];
	s3 =	simm.s32 $0x0;
	s2 =	smul.u32 $0x120, s0  }
0x4: {  	[smem:$0x7FF] =	sst s3  }
0x5: {  	s10 =	simm.s32 $0xA00;
	s1 =	sadd.s32 s2, s1;
	s2 =	rddreg [dreg:$0x0]  }
0x6: {  	s11 =	simm.s32 $0x1200;
	_ =	strace $0x80000047;
	[dreg:$0x4] =	wrdreg s10  }
0x7: {  	s12 =	simm.s32 $0x1A00;
	[dreg:$0x5] =	wrdreg s11  }
0x8: {  	s13 =	simm.s32 $0x2200;
	[dreg:$0x6] =	wrdreg s12  }
0x9: {  	s14 =	simm.s32 $0x2A00;
	s15 =	simm.s32 $0x3200;
	[dreg:$0x7] =	wrdreg s13  }
0xa: {  	s16 =	simm.s32 $0x3A00;
	s17 =	simm.s32 $0x4200;
	[dreg:$0x8] =	wrdreg s14  }
0xb: {  	s18 =	simm.s32 $0x4A00;
	s19 =	simm.s32 $0x5200;
	[dreg:$0x9] =	wrdreg s15  }
0xc: {  	s21 =	simm.s32 $0x5A00;
	s22 =	simm.s32 $0x6200;
	[dreg:$0xa] =	wrdreg s16  }
0xd: {  	s23 =	simm.s32 $0x6A00;
	s24 =	simm.s32 $0x7200;
	[dreg:$0xb] =	wrdreg s17  }
0xe: {  	s25 =	simm.s32 $0x7A00;
	s26 =	simm.s32 $0x8200;
	[dreg:$0xc] =	wrdreg s18  }
0xf: {  	s8 =	simm.s32 $0x2;
	s9 =	simm.s32 $0x200;
	[dreg:$0xd] =	wrdreg s19  }
0x10: {  	s28 =	simm.s32 $0x11200;
	s29 =	simm.s32 $0x11A00;
	[dreg:$0xe] =	wrdreg s21  }
0x11: {  	s30 =	simm.s32 $0x1;
	s31 =	simm.s32 $0x0;
	[dreg:$0xf] =	wrdreg s22  }
0x12: {  	s6 =	sshll.u32 s0, $0x6;
	s0 =	ssub.s32 $0x2, s0;
	[dreg:$0x10] =	wrdreg s23  }
0x13: {  	s5 =	sshll.u32 s5, $0x7;
	s20 =	sshrl.u32 s0, $0x1;
	[dreg:$0x11] =	wrdreg s24  }
0x14: {  	s5 =	sor.u32 s6, s5;
	s0 =	ssub.s32 s0, s20;
	[dreg:$0x12] =	wrdreg s25  }
0x15: {  	[dreg:$0x13] =	wrdreg s26;
	s10 =	simm.s32 $0x8A00;
	s11 =	simm.s32 $0x9200  }
0x16: {  	s12 =	simm.s32 $0x9A00;
	s13 =	simm.s32 $0xA200;
	s14 =	simm.s32 $0xAA00  }
0x17: {  	s15 =	simm.s32 $0xB200;
	s16 =	simm.s32 $0xBA00;
	s17 =	simm.s32 $0xC200  }
0x18: {  	s18 =	simm.s32 $0xCA00;
	s19 =	simm.s32 $0xD200;
	s1 =	sshrl.u32 s1, $0x3  }
0x19: {  	s20 =	simm.s32 $0xDA00;
	s21 =	simm.s32 $0xE200;
	s1 =	smul.u32 $0x300, s1  }
0x1a: {  	s22 =	simm.s32 $0xEA00;
	s23 =	simm.s32 $0xF200;
	s24 =	simm.s32 $0xFA00  }
0x1b: {  	s25 =	simm.s32 $0x10200;
	s0 =	smax.u32 s0, $0x1;
	s1 =	sadd.s32 s1, s4  }
0x1c: {  	v2 =	vlaneseq.u32;
	[dreg:$0x15] =	wrdreg s0;
	s4 =	sadd.s32 s5, s4;
	s1 =	sadd.s32 $0x4E00, s1  }
0x1d: {  	vm0 =	vmmov $0xffff;
	v1 =	vshrl.u32 v2, $0x3;
	s26 =	simm.s32 $0x10A00;
	s4 =	sadd.s32 $0x4600, s4;
	[dreg:$0x3] =	wrdreg s1  }
0x1e: {  	v0 =	vand.u32 $0x7, v2;
	v2 =	vor.u32 $0x8, v2;
	v1 =	vmul.u32 $0x8, v1;
	s6 =	sadd.s32 $0x200, s2;
	s5 =	sadd.s32 $0x100, s2;
	[dreg:$0x14] =	wrdreg s4  }
.LBB2_1:
0x1f: {  	s0 =	rddreg [dreg:$0x14]  }
0x20: {  	[tilespmem:s3], [sflag:$0x2] =	stream.linear.gather [hbm4b:s0+s3], $0x180, $0x38;
	[tilespmem:$0x12200] =	vst v63  }
0x21: {  	_ =	swait.ge [sflag:s8], $0x180  }
0x22: {  	[sflag:s8] =	ssyncset.done $0x0  }
0x23: {  	s1 =	simm.s32 $0x30;
	s0 =	simm.s32 $0x0;
	[sflag:s8] =	ssyncadd.s32 $0xFFFFFE80  }
.LBB2_2:
0x24: {  	v3 =	vld [tilespmem:s1+$0xFFFFFFD0];
	_ =	sdelay $0x4  }
0x25: {  	v4 =	vshrl.u32 v3, $0x3  }
0x26: {  	v4 =	vmul.u32 $0x30, v4  }
0x27: {  	v3 =	vand.u32 $0x7, v3  }
0x28: {  	v3 =	vor.u32 v3, v4  }
0x29: {  	v4 =	vperm.xlane v3, v0;
	_ =	sdelay $0x1  }
0x2a: {  	v4 =	vadd.s32 v1, v4;
	_ =	sdelay $0x3  }
0x2b: {  	v3 =	vperm.xlane v3, v2  }
0x2c: {  	[tilespmem:s9], [sflag:$0x1] =	stream.indirect_vreg.gather [hbm4b:s2+s3], $0x80, v4, vm0, $0xb8;
	[tilespmem:$0x12200] =	vst v63  }
0x2d: {  	s4 =	rddreg [dreg:$0x4];
	v3 =	vadd.s32 v1, v3  }
0x2e: {  	[tilespmem:s4], [sflag:$0x1] =	stream.indirect_vreg.gather [hbm4b:s5+s3], $0x80, v4, vm0, $0xb8;
	[tilespmem:$0x12200] =	vst v63  }
0x2f: {  	s7 =	rddreg [dreg:$0x5]  }
0x30: {  	[tilespmem:s7], [sflag:$0x1] =	stream.indirect_vreg.gather [hbm4b:s6+s3], $0x80, v4, vm0, $0xb8;
	[tilespmem:$0x12200] =	vst v63  }
0x31: {  	s4 =	rddreg [dreg:$0x6]  }
0x32: {  	[tilespmem:s4], [sflag:$0x1] =	stream.indirect_vreg.gather [hbm4b:s2+s3], $0x80, v3, vm0, $0xb8;
	[tilespmem:$0x12200] =	vst v63  }
0x33: {  	s7 =	rddreg [dreg:$0x7]  }
0x34: {  	[tilespmem:s7], [sflag:$0x1] =	stream.indirect_vreg.gather [hbm4b:s5+s3], $0x80, v3, vm0, $0xb8;
	[tilespmem:$0x12200] =	vst v63  }
0x35: {  	s4 =	rddreg [dreg:$0x8]  }
0x36: {  	[tilespmem:s4], [sflag:$0x1] =	stream.indirect_vreg.gather [hbm4b:s6+s3], $0x80, v3, vm0, $0xb8;
	[tilespmem:$0x12200] =	vst v63  }
0x37: {  	v3 =	vld [tilespmem:s1+$0xFFFFFFE0];
	_ =	sdelay $0x4  }
0x38: {  	v59 =	vshrl.u32 v3, $0x3  }
0x39: {  	v4 =	vmul.u32 $0x30, v59  }
0x3a: {  	v3 =	vand.u32 $0x7, v3  }
0x3b: {  	v3 =	vor.u32 v3, v4  }
0x3c: {  	v4 =	vperm.xlane v3, v0;
	_ =	sdelay $0x1  }
0x3d: {  	v4 =	vadd.s32 v1, v4;
	_ =	sdelay $0x3  }
0x3e: {  	s4 =	rddreg [dreg:$0x9];
	v3 =	vperm.xlane v3, v2  }
0x3f: {  	[tilespmem:s4], [sflag:$0x1] =	stream.indirect_vreg.gather [hbm4b:s2+s3], $0x80, v4, vm0, $0xb8;
	[tilespmem:$0x12200] =	vst v63  }
0x40: {  	s7 =	rddreg [dreg:$0xa];
	v3 =	vadd.s32 v1, v3  }
0x41: {  	[tilespmem:s7], [sflag:$0x1] =	stream.indirect_vreg.gather [hbm4b:s5+s3], $0x80, v4, vm0, $0xb8;
	[tilespmem:$0x12200] =	vst v63  }
0x42: {  	s4 =	rddreg [dreg:$0xb]  }
0x43: {  	[tilespmem:s4], [sflag:$0x1] =	stream.indirect_vreg.gather [hbm4b:s6+s3], $0x80, v4, vm0, $0xb8;
	[tilespmem:$0x12200] =	vst v63  }
0x44: {  	s7 =	rddreg [dreg:$0xc]  }
0x45: {  	[tilespmem:s7], [sflag:$0x1] =	stream.indirect_vreg.gather [hbm4b:s2+s3], $0x80, v3, vm0, $0xb8;
	[tilespmem:$0x12200] =	vst v63  }
0x46: {  	s4 =	rddreg [dreg:$0xd]  }
0x47: {  	[tilespmem:s4], [sflag:$0x1] =	stream.indirect_vreg.gather [hbm4b:s5+s3], $0x80, v3, vm0, $0xb8;
	[tilespmem:$0x12200] =	vst v63  }
0x48: {  	s7 =	rddreg [dreg:$0xe]  }
0x49: {  	[tilespmem:s7], [sflag:$0x1] =	stream.indirect_vreg.gather [hbm4b:s6+s3], $0x80, v3, vm0, $0xb8;
	[tilespmem:$0x12200] =	vst v63  }
0x4a: {  	v3 =	vld [tilespmem:s1+$0xFFFFFFF0];
	_ =	sdelay $0x4  }
0x4b: {  	v60 =	vshrl.u32 v3, $0x3  }
0x4c: {  	v4 =	vmul.u32 $0x30, v60  }
0x4d: {  	v3 =	vand.u32 $0x7, v3  }
0x4e: {  	v3 =	vor.u32 v3, v4  }
0x4f: {  	v4 =	vperm.xlane v3, v0;
	_ =	sdelay $0x1  }
0x50: {  	v4 =	vadd.s32 v1, v4;
	_ =	sdelay $0x3  }
0x51: {  	s4 =	rddreg [dreg:$0xf];
	v3 =	vperm.xlane v3, v2  }
0x52: {  	[tilespmem:s4], [sflag:$0x1] =	stream.indirect_vreg.gather [hbm4b:s2+s3], $0x80, v4, vm0, $0xb8;
	[tilespmem:$0x12200] =	vst v63  }
0x53: {  	s7 =	rddreg [dreg:$0x10];
	v3 =	vadd.s32 v1, v3  }
0x54: {  	[tilespmem:s7], [sflag:$0x1] =	stream.indirect_vreg.gather [hbm4b:s5+s3], $0x80, v4, vm0, $0xb8;
	[tilespmem:$0x12200] =	vst v63  }
0x55: {  	s4 =	rddreg [dreg:$0x11]  }
0x56: {  	[tilespmem:s4], [sflag:$0x1] =	stream.indirect_vreg.gather [hbm4b:s6+s3], $0x80, v4, vm0, $0xb8;
	[tilespmem:$0x12200] =	vst v63  }
0x57: {  	s7 =	rddreg [dreg:$0x12]  }
0x58: {  	[tilespmem:s7], [sflag:$0x1] =	stream.indirect_vreg.gather [hbm4b:s2+s3], $0x80, v3, vm0, $0xb8;
	[tilespmem:$0x12200] =	vst v63  }
0x59: {  	s4 =	rddreg [dreg:$0x13]  }
0x5a: {  	[tilespmem:s4], [sflag:$0x1] =	stream.indirect_vreg.gather [hbm4b:s5+s3], $0x80, v3, vm0, $0xb8;
	[tilespmem:$0x12200] =	vst v63  }
0x5b: {  	_ = 	snop  }
0x5c: {  	[tilespmem:s10], [sflag:$0x1] =	stream.indirect_vreg.gather [hbm4b:s6+s3], $0x80, v3, vm0, $0xb8;
	[tilespmem:$0x12200] =	vst v63  }
0x5d: {  	v3 =	vld [tilespmem:s1+$0x0];
	_ =	sdelay $0x4  }
0x5e: {  	v61 =	vshrl.u32 v3, $0x3  }
0x5f: {  	v4 =	vmul.u32 $0x30, v61  }
0x60: {  	v3 =	vand.u32 $0x7, v3  }
0x61: {  	v3 =	vor.u32 v3, v4  }
0x62: {  	v4 =	vperm.xlane v3, v0;
	_ =	sdelay $0x1  }
0x63: {  	v4 =	vadd.s32 v1, v4;
	_ =	sdelay $0x3  }
0x64: {  	v3 =	vperm.xlane v3, v2  }
0x65: {  	[tilespmem:s11], [sflag:$0x1] =	stream.indirect_vreg.gather [hbm4b:s2+s3], $0x80, v4, vm0, $0xb8;
	[tilespmem:$0x12200] =	vst v63  }
0x66: {  	v3 =	vadd.s32 v1, v3  }
0x67: {  	[tilespmem:s12], [sflag:$0x1] =	stream.indirect_vreg.gather [hbm4b:s5+s3], $0x80, v4, vm0, $0xb8;
	[tilespmem:$0x12200] =	vst v63  }
0x68: {  	_ = 	snop  }
0x69: {  	[tilespmem:s13], [sflag:$0x1] =	stream.indirect_vreg.gather [hbm4b:s6+s3], $0x80, v4, vm0, $0xb8;
	[tilespmem:$0x12200] =	vst v63  }
0x6a: {  	_ = 	snop  }
0x6b: {  	[tilespmem:s14], [sflag:$0x1] =	stream.indirect_vreg.gather [hbm4b:s2+s3], $0x80, v3, vm0, $0xb8;
	[tilespmem:$0x12200] =	vst v63  }
0x6c: {  	_ = 	snop  }
0x6d: {  	[tilespmem:s15], [sflag:$0x1] =	stream.indirect_vreg.gather [hbm4b:s5+s3], $0x80, v3, vm0, $0xb8;
	[tilespmem:$0x12200] =	vst v63  }
0x6e: {  	_ = 	snop  }
0x6f: {  	[tilespmem:s16], [sflag:$0x1] =	stream.indirect_vreg.gather [hbm4b:s6+s3], $0x80, v3, vm0, $0xb8;
	[tilespmem:$0x12200] =	vst v63  }
0x70: {  	v3 =	vld [tilespmem:s1+$0x10];
	_ =	sdelay $0x4  }
0x71: {  	v62 =	vshrl.u32 v3, $0x3  }
0x72: {  	v4 =	vmul.u32 $0x30, v62  }
0x73: {  	v3 =	vand.u32 $0x7, v3  }
0x74: {  	v3 =	vor.u32 v3, v4  }
0x75: {  	v4 =	vperm.xlane v3, v0;
	_ =	sdelay $0x1  }
0x76: {  	v4 =	vadd.s32 v1, v4;
	_ =	sdelay $0x3  }
0x77: {  	v3 =	vperm.xlane v3, v2  }
0x78: {  	[tilespmem:s17], [sflag:$0x1] =	stream.indirect_vreg.gather [hbm4b:s2+s3], $0x80, v4, vm0, $0xb8;
	[tilespmem:$0x12200] =	vst v63  }
0x79: {  	v3 =	vadd.s32 v1, v3  }
0x7a: {  	[tilespmem:s18], [sflag:$0x1] =	stream.indirect_vreg.gather [hbm4b:s5+s3], $0x80, v4, vm0, $0xb8;
	[tilespmem:$0x12200] =	vst v63  }
0x7b: {  	_ = 	snop  }
0x7c: {  	[tilespmem:s19], [sflag:$0x1] =	stream.indirect_vreg.gather [hbm4b:s6+s3], $0x80, v4, vm0, $0xb8;
	[tilespmem:$0x12200] =	vst v63  }
0x7d: {  	_ = 	snop  }
0x7e: {  	[tilespmem:s20], [sflag:$0x1] =	stream.indirect_vreg.gather [hbm4b:s2+s3], $0x80, v3, vm0, $0xb8;
	[tilespmem:$0x12200] =	vst v63  }
0x7f: {  	_ = 	snop  }
0x80: {  	[tilespmem:s21], [sflag:$0x1] =	stream.indirect_vreg.gather [hbm4b:s5+s3], $0x80, v3, vm0, $0xb8;
	[tilespmem:$0x12200] =	vst v63  }
0x81: {  	_ = 	snop  }
0x82: {  	[tilespmem:s22], [sflag:$0x1] =	stream.indirect_vreg.gather [hbm4b:s6+s3], $0x80, v3, vm0, $0xb8;
	[tilespmem:$0x12200] =	vst v63  }
0x83: {  	v3 =	vld [tilespmem:s1+$0x20];
	_ =	sdelay $0x4  }
0x84: {  	v63 =	vshrl.u32 v3, $0x3  }
0x85: {  	v4 =	vmul.u32 $0x30, v63  }
0x86: {  	v3 =	vand.u32 $0x7, v3  }
0x87: {  	v3 =	vor.u32 v3, v4  }
0x88: {  	v4 =	vperm.xlane v3, v0;
	_ =	sdelay $0x1  }
0x89: {  	v4 =	vadd.s32 v1, v4;
	_ =	sdelay $0x3  }
0x8a: {  	v3 =	vperm.xlane v3, v2  }
0x8b: {  	[tilespmem:s23], [sflag:$0x1] =	stream.indirect_vreg.gather [hbm4b:s2+s3], $0x80, v4, vm0, $0xb8;
	[tilespmem:$0x12200] =	vst v63  }
0x8c: {  	v3 =	vadd.s32 v1, v3  }
0x8d: {  	[tilespmem:s24], [sflag:$0x1] =	stream.indirect_vreg.gather [hbm4b:s5+s3], $0x80, v4, vm0, $0xb8;
	[tilespmem:$0x12200] =	vst v63  }
0x8e: {  	_ = 	snop  }
0x8f: {  	[tilespmem:s25], [sflag:$0x1] =	stream.indirect_vreg.gather [hbm4b:s6+s3], $0x80, v4, vm0, $0xb8;
	[tilespmem:$0x12200] =	vst v63  }
0x90: {  	_ = 	snop  }
0x91: {  	[tilespmem:s26], [sflag:$0x1] =	stream.indirect_vreg.gather [hbm4b:s2+s3], $0x80, v3, vm0, $0xb8;
	[tilespmem:$0x12200] =	vst v63  }
0x92: {  	_ = 	snop  }
0x93: {  	[tilespmem:s28], [sflag:$0x1] =	stream.indirect_vreg.gather [hbm4b:s5+s3], $0x80, v3, vm0, $0xb8;
	[tilespmem:$0x12200] =	vst v63  }
0x94: {  	_ = 	snop  }
0x95: {  	[tilespmem:s29], [sflag:$0x1] =	stream.indirect_vreg.gather [hbm4b:s6+s3], $0x80, v3, vm0, $0xb8;
	[tilespmem:$0x12200] =	vst v63  }
0x96: {  	_ =	swait.ge [sflag:s30], $0x12000  }
0x97: {  	p0 =	sne.s32 s0, $0x4800;
	s7 =	rddreg [dreg:$0x3];
	[sflag:s30] =	ssyncset.done $0x0  }
.Ltmp0:
0x98: {  	[sflag:s30] =	ssyncadd.s32 $0xFFFEE000;
	s4 =	sadd.s32 s0, s7;
	(pc) =	sbr.rel @p0 .LBB2_2-.Ltmp0, $4  }
0x99: {  	[hbm4b:s4+s3] =	stream.linear.scatter [tilespmem:s9], [sflag:$0x2], $0x12000, $0x38;
	[tilespmem:$0x12200] =	vst v63  }
0x9a: {  	_ =	swait.ge [sflag:s8], $0x12000  }
0x9b: {  	[sflag:s8] =	ssyncset.done $0x0  }
0x9c: {  	s1 =	sadd.s32 $0x80, s1;
	s0 =	sadd.s32 $0x2400, s0;
	[sflag:s8] =	ssyncadd.s32 $0xFFFEE000  }
0x9d: {  	s31 =	sadd.s32 $0x1, s31;
	s0 =	rddreg [dreg:$0x15]  }
0x9e: {  	p0 =	sne.s32 s31, s0  }
.Ltmp1:
0x9f: {  	_ = 	snop;
	(pc) =	sbr.rel @p0 .LBB2_1-.Ltmp1, $1  }
0xa0: {  	_ =	sdelay $0x3  }
0xa1: {  	_ =	sfence.sel $0x180000  }
0xa2: {  	[bflag:$0x0] =	sbarrier.arrive $0xFFFF  }
0xa3: {  	_ =	strace $0x90000047  }
0xa4: {  	s0 =	stileid.u32;
	[bflag:$0x2] =	sbarrier.arrive $0xFFFF  }
0xa5: {  	p0 =	sne.s32 s0, $0x0;
	s0 =	rddreg [dreg:$0x2]  }
0xa6: {  	s0 =	sadd.s32 @!p0 $0x100000, s0  }
0xa7: {  	[sflag:s0] =	ssyncadd.tile.s32 @!p0 $0x1;
	_ =	shalt  }
.Lfunc_end2:
_tile_overlayer_lowered:
.L_overlay_start_2:
0xa8: {  	(tag) =	ssettag $0x2  }
0xa9: {  	s0 =	rddreg [dreg:$0x0];
	s2 =	stileid.u32  }
0xaa: {  	s1 =	rddreg [dreg:$0x1];
	p0 =	sne.s32 s2, $0x0  }
0xab: {  	s3 =	rddreg [dreg:$0x2];
	[bflag:$0x3] =	sbarrier.arrive $0xFFFF;
	s2 =	simm.s32 @!p0 $0x1C02  }
0xac: {  	[timem:s3], [sflag:s2] =	dma.local @!p0 [hbm:s0], s1  }
0xad: {  	s0 =	simm.s32 @!p0 $0x2  }
0xae: {  	_ =	swait.ge @!p0 [sflag:s0], s1  }
0xaf: {  	s1 =	ssub.s32 @!p0 $0x0, s1;
	[sflag:s0] =	ssyncset.done @!p0 $0x0  }
0xb0: {  	[sflag:s0] =	ssyncadd.s32 @!p0 s1  }
0xb1: {  	[bflag:$0x3] =	sbarrier.arrive $0xFFFF  }
0xb2: {  	_ =	shalt  }

// kernel: kernel.8.cloned.1.call-start
scs
__scs_entry_jumppad:
0x0: {  	(pc) =	sbr.rel $0x88, $3  }
0x1: {  	(tag) =	ssettag $0x0;
	lr =	simm.s32 $0x1  }
0x2: {  	[smem:$0x3F87] =	sst lr;
	_ =	strace $0xD0000000  }
0x3: {  	_ = 	snop  }
0x4: {  	_ = 	snop  }
0x5: {  	_ = 	snop  }
0x6: {  	_ = 	snop  }
0x7: {  	_ = 	snop  }
__scs_overlays_trampoline_lowered:
0x8: {  	[smem:$0x3F96] =	sst s0  }
0x9: {  	[smem:$0x3F97] =	sst s1  }
0xa: {  	[smem:$0x3F98] =	sst s2  }
0xb: {  	[smem:$0x3F99] =	sst s3  }
0xc: {  	[smem:$0x3F9A] =	sst s4  }
0xd: {  	[smem:$0x3F9B] =	sst s5  }
0xe: {  	[smem:$0x3F9C] =	sst s6  }
0xf: {  	[smem:$0x3F9D] =	sst s7  }
0x10: {  	[smem:$0x3F9E] =	sst s8  }
0x11: {  	[smem:$0x3F9F] =	sst s9;
	s0 =	simm.s32 @!p0 $0x0  }
0x12: {  	s1 =	sld [smem:$0x3F85];
	s0 =	simm.s32 @p0 $0x1  }
0x13: {  	[smem:$0x3FA0] =	sst s0;
	s0 =	simm.s32 @!p1 $0x0  }
0x14: {  	s2 =	sld [smem:$0x3F84];
	s0 =	simm.s32 @p1 $0x1  }
0x15: {  	[smem:$0x3FA1] =	sst s0;
	s0 =	simm.s32 @!p2 $0x0  }
0x16: {  	s3 =	sld [smem:$0x3FDB];
	s0 =	simm.s32 @p2 $0x1  }
0x17: {  	s4 =	simm.s32 $0x1BF5;
	[smem:$0x3FA3] =	sst s0  }
0x18: {  	s0 =	sld [smem:$0x3F86];
	_ =	swait.ge [sflag:s4], $0x0  }
0x19: {  	s7 =	sld [smem:$0x3F87]  }
0x1a: {  	s8 =	sadd.s32 $0xFFFFE003, lr  }
0x1b: {  	s9 =	sadd.s32 $0xFFFFFEF7, lr;
	s5 =	simm.s32 $0xFFFFFFFF;
	p2 =	slt.u32 s8, $0xFFFFF086  }
0x1c: {  	p1 =	slt.u32 s9, $0xF7A;
	s5 =	simm.s32 @!p2 $0x0  }
0x1d: {  	s5 =	simm.s32 @p1 $0x1;
	p0 =	seq.s32 s7, s2  }
0x1e: {  	s7 =	smul.u32 @!p0 $0xF7A, s2;
	p2 =	seq.s32 @!p0 s5, $0x0  }
0x1f: {  	s9 =	smul.u32 $0xF7A, s1;
	s8 =	simm.s32 @!p0 $0x1BF5;
	p2 =	por !p2, p0  }
0x20: {  	[sflag:s8] =	ssyncset.s32 @!p0 $0xFFFFF086;
	s6 =	sadd.s32 @!p0 s3, s7;
	s7 =	simm.s32 @!p0 $0x108  }
0x21: {  	s3 =	sadd.s32 s3, s9;
	s6 =	sadd.s32 @!p0 $0x88, s6;
	s7 =	simm.s32 @p2 $0x1082  }
0x22: {  	[simem:s7], [sflag:s8] =	dma.local @!p0 [hbm:s6], $0xF7A  }
0x23: {  	s9 =	sor.u32 $0xD0000000, s2;
	s6 =	simm.s32 $0x108;
	_ =	swait.ge @!p0 [sflag:s8], $0x0  }
0x24: {  	s3 =	sadd.s32 $0x88, s3;
	s6 =	simm.s32 @!p1 $0x1082;
	[sflag:s4] =	ssyncset.s32 $0xFFFFF086  }
0x25: {  	[simem:s6], [sflag:s4] =	dma.local [hbm:s3], $0xF7A  }
0x26: {  	[smem:$0x3F87] =	sst s1;
	(tag) =	ssettag s2;
	_ =	strace s9  }
0x27: {  	s1 =	sld [smem:$0x3F97]  }
0x28: {  	s2 =	sld [smem:$0x3F98]  }
0x29: {  	s4 =	sld [smem:$0x3F9A]  }
0x2a: {  	p0 =	seq.s32 s5, $0x0;
	s5 =	sld [smem:$0x3F9B]  }
0x2b: {  	s6 =	sld [smem:$0x3F9C]  }
0x2c: {  	s7 =	sld [smem:$0x3F9D]  }
0x2d: {  	s3 =	simm.s32 $0x108;
	s8 =	sld [smem:$0x3F9E]  }
0x2e: {  	s3 =	simm.s32 @!p0 $0x1082;
	s9 =	sld [smem:$0x3F9F]  }
0x2f: {  	lr =	sadd.s32 s0, s3;
	s0 =	sld [smem:$0x3F96]  }
0x30: {  	s3 =	sld [smem:$0x3F99]  }
0x31: {  	[smem:$0x3FA2] =	sst s10  }
0x32: {  	s10 =	sld [smem:$0x3FA0];
	_ =	sdelay $0x3  }
0x33: {  	p0 =	seq.s32 s10, $0x1;
	s10 =	sld [smem:$0x3FA2];
	_ =	sdelay $0x3  }
0x34: {  	[smem:$0x3FA2] =	sst s10  }
0x35: {  	s10 =	sld [smem:$0x3FA1];
	_ =	sdelay $0x3  }
0x36: {  	p1 =	seq.s32 s10, $0x1;
	s10 =	sld [smem:$0x3FA2];
	_ =	sdelay $0x3  }
0x37: {  	[smem:$0x3FA2] =	sst s10  }
0x38: {  	s10 =	sld [smem:$0x3FA3]  }
0x39: {  	_ = 	snop;
	(pc) =	sbr.ind lr, $3  }
0x3a: {  	_ = 	snop  }
0x3b: {  	_ = 	snop  }
0x3c: {  	p2 =	seq.s32 s10, $0x1;
	s10 =	sld [smem:$0x3FA2]  }
0x3d: {  	_ =	shalt  }
0x3e: {  	_ =	shalt  }
0x3f: {  	_ =	shalt  }
0x40: {  	_ =	shalt  }
0x41: {  	_ =	shalt  }
0x42: {  	_ =	shalt  }
0x43: {  	_ =	shalt  }
0x44: {  	_ =	shalt  }
0x45: {  	_ =	shalt  }
0x46: {  	_ =	shalt  }
0x47: {  	_ =	shalt  }
0x48: {  	_ =	shalt  }
0x49: {  	_ =	shalt  }
0x4a: {  	_ =	shalt  }
0x4b: {  	_ =	shalt  }
0x4c: {  	_ =	shalt  }
0x4d: {  	_ =	shalt  }
0x4e: {  	_ =	shalt  }
0x4f: {  	_ =	shalt  }
0x50: {  	_ =	shalt  }
0x51: {  	_ =	shalt  }
0x52: {  	_ =	shalt  }
0x53: {  	_ =	shalt  }
0x54: {  	_ =	shalt  }
0x55: {  	_ =	shalt  }
0x56: {  	_ =	shalt  }
0x57: {  	_ =	shalt  }
0x58: {  	_ =	shalt  }
0x59: {  	_ =	shalt  }
0x5a: {  	_ =	shalt  }
0x5b: {  	_ =	shalt  }
0x5c: {  	_ =	shalt  }
0x5d: {  	_ =	shalt  }
0x5e: {  	_ =	shalt  }
0x5f: {  	_ =	shalt  }
0x60: {  	_ =	shalt  }
0x61: {  	_ =	shalt  }
0x62: {  	_ =	shalt  }
0x63: {  	_ =	shalt  }
0x64: {  	_ =	shalt  }
0x65: {  	_ =	shalt  }
0x66: {  	_ =	shalt  }
0x67: {  	_ =	shalt  }
0x68: {  	_ =	shalt  }
0x69: {  	_ =	shalt  }
0x6a: {  	_ =	shalt  }
0x6b: {  	_ =	shalt  }
0x6c: {  	_ =	shalt  }
0x6d: {  	_ =	shalt  }
0x6e: {  	_ =	shalt  }
0x6f: {  	_ =	shalt  }
0x70: {  	_ =	shalt  }
0x71: {  	_ =	shalt  }
0x72: {  	_ =	shalt  }
0x73: {  	_ =	shalt  }
0x74: {  	_ =	shalt  }
0x75: {  	_ =	shalt  }
0x76: {  	_ =	shalt  }
0x77: {  	_ =	shalt  }
0x78: {  	_ =	shalt  }
0x79: {  	_ =	shalt  }
0x7a: {  	_ =	shalt  }
0x7b: {  	_ =	shalt  }
0x7c: {  	_ =	shalt  }
0x7d: {  	_ =	shalt  }
0x7e: {  	_ =	shalt  }
0x7f: {  	_ =	shalt  }
0x80: {  	_ =	shalt  }
0x81: {  	_ =	shalt  }
0x82: {  	_ =	shalt  }
0x83: {  	_ =	shalt  }
0x84: {  	_ =	shalt  }
0x85: {  	_ =	shalt  }
0x86: {  	_ =	shalt  }
0x87: {  	_ =	shalt  }
.Lfunc_end0:
.L_simem_size_0:
called_computation_lowered:
.L_overlay_start_0:
0x88: {  	s2 =	sld [smem:$0x3FD9]  }
0x89: {  	s3 =	sld [smem:$0x3FFE];
	_ =	sdelay $0x1  }
0x8a: {  	s1 =	srdreg.scid  }
0x8b: {  	s0 =	sand.u32 $0x1, s1  }
0x8c: {  	s15 =	sshll.u32 s0, $0xA;
	s2 =	sadd.s32 s3, s2  }
0x8d: {  	s2 =	sadd.s32 s2, s15  }
0x8e: {  	[smem:$0x3FAE] =	sst s2  }
0x8f: {  	_ = 	snop  }
0x90: {  	s2 =	sld [smem:$0x3FD0];
	_ =	sdelay $0x2  }
0x91: {  	s16 =	simm.s32 $0xB;
	s4 =	simm.s32 $0x10  }
0x92: {  	[smem:s4], [sflag:s16] =	dma.local [hbm:s2], $0x1  }
0x93: {  	_ =	swait.eq [sflag:s16], $0x1  }
0x94: {  	[sflag:s16] =	ssyncset.done $0x0  }
0x95: {  	[sflag:s16] =	ssyncadd.s32 $0xFFFFFFFF  }
0x96: {  	s17 =	sld [smem:$0x10];
	(tm) =	ssettm $0x1  }
0x97: {  	s18 =	sld [smem:$0x3FFB];
	_ =	sdelay $0x3  }
0x98: {  	_ =	strace s18  }
0x99: {  	s2 =	sld [smem:$0x3FFC];
	_ =	sdelay $0x3  }
0x9a: {  	_ =	strace s2  }
0x9b: {  	s2 =	sld [smem:$0x3FFD];
	_ =	sdelay $0x3  }
0x9c: {  	_ =	strace s2  }
0x9d: {  	_ =	strace $0x8FFFFFFF  }
0x9e: {  	s19 =	sld [smem:$0x3FDB];
	_ =	sdelay $0x1  }
0x9f: {  	s20 =	simm.s32 $_scs_section_size  }
0xa0: {  	s5 =	simm.s32 $_size__tile_overlayer_lowered;
	s6 =	simm.s32 $_tile_overlayer_lowered  }
0xa1: {  	s7 =	simm.s32 $0x1BFF;
	s21 =	sshll.u32 s6, $0x1;
	s4 =	sadd.s32 s20, s19  }
0xa2: {  	s22 =	simm.s32 $0x0;
	s5 =	sshll.u32 s5, $0x1;
	s6 =	sadd.s32 s21, s4  }
0xa3: {  	[timem:s22], [sflag:s7] =	dma.local [hbm:s6], s5  }
0xa4: {  	_ =	swait.ge [sflag:s7], s5  }
0xa5: {  	s5 =	ssub.s32 $0x0, s5;
	[sflag:s7] =	ssyncset.done $0x0  }
0xa6: {  	[sflag:s7] =	ssyncadd.s32 s5;
	_ =	sdelay $0x1  }
0xa7: {  	s23 =	simm.s32 $0x1B8B  }
0xa8: {  	_ =	swait.ge [sflag:s23], $0x1  }
0xa9: {  	[sflag:s23] =	ssyncset.done $0x0  }
0xaa: {  	[sflag:s23] =	ssyncadd.s32 $0xFFFFFFFF  }
0xab: {  	s5 =	sld [smem:$0x0]  }
0xac: {  	s6 =	sand.u32 $0xFFFFFFFE, s1  }
0xad: {  	p0 =	sne.s32 s1, s6  }
0xae: {  	s6 =	sshll.u32 @p0 s6, $0xE  }
0xaf: {  	s6 =	sadd.s32 @p0 $0x11B8D, s6;
	s7 =	sshll.u32 @p0 s5, $0x11  }
0xb0: {  	s6 =	sor.u32 @p0 s7, s6  }
0xb1: {  	[sflag:s6] =	ssyncadd.remote.s32 @p0 $0x1;
	_ =	sdelay $0x1  }
0xb2: {  	s6 =	simm.s32 @p0 $0x1B8D  }
0xb3: {  	_ =	swait.eq @p0 [sflag:s6], $0x1  }
0xb4: {  	[sflag:s6] =	ssyncadd.s32 @p0 $0xFFFFFFFF  }
0xb5: {  	s7 =	sshll.u32 @!p0 s1, $0xE  }
0xb6: {  	s7 =	sor.u32 @!p0 $0x4000, s7;
	s6 =	simm.s32 @!p0 $0x1B8D  }
0xb7: {  	s5 =	sshll.u32 @!p0 s5, $0x11;
	s7 =	sadd.s32 @!p0 $0x11B8D, s7;
	_ =	swait.eq @!p0 [sflag:s6], $0x1  }
0xb8: {  	s5 =	sor.u32 @!p0 s5, s7;
	[sflag:s6] =	ssyncadd.s32 @!p0 $0xFFFFFFFF  }
0xb9: {  	s25 =	simm.s32 $0x1B8E;
	s24 =	sld [smem:$0x3FFE];
	[sflag:s5] =	ssyncadd.remote.s32 @!p0 $0x1  }
0xba: {  	s26 =	simm.s32 $execute0_lowered;
	[smem:$0x3FD2] =	sst s25  }
0xbb: {  	s6 =	sshll.u32 s26, $0x1;
	_ =	strace $0x80000049;
	[dreg:$0x1] =	wrdreg $0xFFFFFFFF  }
0xbc: {  	s28 =	simm.s32 $_size_execute0_lowered;
	s4 =	sadd.s32 s4, s6;
	[dreg:$0x0] =	wrdreg $0x0  }
0xbd: {  	s6 =	sshll.u32 s28, $0x1;
	[dreg:$0x2] =	wrdreg s4  }
0xbe: {  	[dreg:$0x3] =	wrdreg s6  }
0xbf: {  	[dreg:$0x4] =	wrdreg $0xC0  }
0xc0: {  	_ =	task [dreg:s22], $0x5FFFF  }
0xc1: {  	[dreg:$0x1] =	wrdreg $0xFFFFFFFF  }
0xc2: {  	[dreg:$0x0] =	wrdreg $0x60  }
0xc3: {  	[dreg:$0x2] =	wrdreg s17  }
0xc4: {  	[dreg:$0x3] =	wrdreg s24  }
0xc5: {  	[dreg:$0x4] =	wrdreg $0x9  }
0xc6: {  	_ =	task.clear_ibuf [dreg:s22], $0x5FFFF;
	_ =	strace $0x90000049  }
0xc7: {  	s29 =	simm.s32 $0x9;
	_ =	strace $0x8000004B  }
0xc8: {  	_ =	swait.ge [sflag:s29], $0x1  }
0xc9: {  	[sflag:s29] =	ssyncadd.s32 $0xFFFFFFFF  }
0xca: {  	_ =	strace $0x9000004B  }
0xcb: {  	_ =	sfence  }
0xcc: {  	s30 =	sld [smem:$0x0];
	_ =	sdelay $0x2  }
0xcd: {  	s31 =	sshll.u32 s1, $0xD;
	s1 =	sshrl.u32 s1, $0x2  }
0xce: {  	s4 =	sand.u32 $0x4000, s31;
	s1 =	sadd.s32 s1, s30  }
0xcf: {  	s0 =	sor.u32 s4, s0;
	s1 =	sshll.u32 s1, $0x11  }
0xd0: {  	s0 =	sor.u32 s1, s0  }
0xd1: {  	s0 =	sadd.s32 $0x8F2B, s0  }
0xd2: {  	[sflag:s0] =	ssyncadd.remote.s32 $0x1  }
0xd3: {  	_ =	sfence.sel $0xFFFF  }
0xd4: {  	[dreg:$0x0] =	wrdreg $0xFFFFFFFF;
	(pc) =	sbr.abs _section_cstart, $3  }
0xd5: {  	[dreg:$0x1] =	wrdreg $0xFFFFFFFF  }
0xd6: {  	_ =	task.clear_ibuf [dreg:s22], $0x2FFFF;
	_ =	strace $0x9FFFFFFF  }
0xd7: {  	(tm) =	ssettm $0x7FFFFFFF  }
tec
execute0_lowered:
.L_overlay_start_1:
0x0: {  	(tag) =	ssettag $0x1  }
0x1: {  	s0 =	srdreg.scid;
	s5 =	stileid.u32  }
0x2: {  	s0 =	sand.u32 $0x1, s0;
	s1 =	smul.u32 $0x240, s5  }
0x3: {  	s4 =	rddreg [dreg:$0x1];
	s3 =	simm.s32 $0x0;
	s2 =	smul.u32 $0x120, s0  }
0x4: {  	[smem:$0x7FF] =	sst s3  }
0x5: {  	s10 =	simm.s32 $0xA00;
	s1 =	sadd.s32 s2, s1;
	s2 =	rddreg [dreg:$0x0]  }
0x6: {  	s11 =	simm.s32 $0x1200;
	_ =	strace $0x8000004A;
	[dreg:$0x4] =	wrdreg s10  }
0x7: {  	s12 =	simm.s32 $0x1A00;
	[dreg:$0x5] =	wrdreg s11  }
0x8: {  	s13 =	simm.s32 $0x2200;
	[dreg:$0x6] =	wrdreg s12  }
0x9: {  	s14 =	simm.s32 $0x2A00;
	s15 =	simm.s32 $0x3200;
	[dreg:$0x7] =	wrdreg s13  }
0xa: {  	s16 =	simm.s32 $0x3A00;
	s17 =	simm.s32 $0x4200;
	[dreg:$0x8] =	wrdreg s14  }
0xb: {  	s18 =	simm.s32 $0x4A00;
	s19 =	simm.s32 $0x5200;
	[dreg:$0x9] =	wrdreg s15  }
0xc: {  	s21 =	simm.s32 $0x5A00;
	s22 =	simm.s32 $0x6200;
	[dreg:$0xa] =	wrdreg s16  }
0xd: {  	s23 =	simm.s32 $0x6A00;
	s24 =	simm.s32 $0x7200;
	[dreg:$0xb] =	wrdreg s17  }
0xe: {  	s25 =	simm.s32 $0x7A00;
	s26 =	simm.s32 $0x8200;
	[dreg:$0xc] =	wrdreg s18  }
0xf: {  	s8 =	simm.s32 $0x2;
	s9 =	simm.s32 $0x200;
	[dreg:$0xd] =	wrdreg s19  }
0x10: {  	s28 =	simm.s32 $0x11200;
	s29 =	simm.s32 $0x11A00;
	[dreg:$0xe] =	wrdreg s21  }
0x11: {  	s30 =	simm.s32 $0x1;
	s31 =	simm.s32 $0x0;
	[dreg:$0xf] =	wrdreg s22  }
0x12: {  	s6 =	sshll.u32 s0, $0x6;
	s0 =	ssub.s32 $0x2, s0;
	[dreg:$0x10] =	wrdreg s23  }
0x13: {  	s5 =	sshll.u32 s5, $0x7;
	s20 =	sshrl.u32 s0, $0x1;
	[dreg:$0x11] =	wrdreg s24  }
0x14: {  	s5 =	sor.u32 s6, s5;
	s0 =	ssub.s32 s0, s20;
	[dreg:$0x12] =	wrdreg s25  }
0x15: {  	[dreg:$0x13] =	wrdreg s26;
	s10 =	simm.s32 $0x8A00;
	s11 =	simm.s32 $0x9200  }
0x16: {  	s12 =	simm.s32 $0x9A00;
	s13 =	simm.s32 $0xA200;
	s14 =	simm.s32 $0xAA00  }
0x17: {  	s15 =	simm.s32 $0xB200;
	s16 =	simm.s32 $0xBA00;
	s17 =	simm.s32 $0xC200  }
0x18: {  	s18 =	simm.s32 $0xCA00;
	s19 =	simm.s32 $0xD200;
	s1 =	sshrl.u32 s1, $0x3  }
0x19: {  	s20 =	simm.s32 $0xDA00;
	s21 =	simm.s32 $0xE200;
	s1 =	smul.u32 $0x300, s1  }
0x1a: {  	s22 =	simm.s32 $0xEA00;
	s23 =	simm.s32 $0xF200;
	s24 =	simm.s32 $0xFA00  }
0x1b: {  	s25 =	simm.s32 $0x10200;
	s0 =	smax.u32 s0, $0x1;
	s1 =	sadd.s32 s1, s4  }
0x1c: {  	v2 =	vlaneseq.u32;
	[dreg:$0x15] =	wrdreg s0;
	s4 =	sadd.s32 s5, s4;
	s1 =	sadd.s32 $0xDD600, s1  }
0x1d: {  	vm0 =	vmmov $0xffff;
	v1 =	vshrl.u32 v2, $0x3;
	s26 =	simm.s32 $0x10A00;
	s4 =	sadd.s32 $0xDCE00, s4;
	[dreg:$0x3] =	wrdreg s1  }
0x1e: {  	v0 =	vand.u32 $0x7, v2;
	v2 =	vor.u32 $0x8, v2;
	v1 =	vmul.u32 $0x8, v1;
	s6 =	sadd.s32 $0x200, s2;
	s5 =	sadd.s32 $0x100, s2;
	[dreg:$0x14] =	wrdreg s4  }
.LBB2_1:
0x1f: {  	s0 =	rddreg [dreg:$0x14]  }
0x20: {  	[tilespmem:s3], [sflag:$0x2] =	stream.linear.gather [hbm4b:s0+s3], $0x180, $0x38;
	[tilespmem:$0x12200] =	vst v63  }
0x21: {  	_ =	swait.ge [sflag:s8], $0x180  }
0x22: {  	[sflag:s8] =	ssyncset.done $0x0  }
0x23: {  	s1 =	simm.s32 $0x30;
	s0 =	simm.s32 $0x0;
	[sflag:s8] =	ssyncadd.s32 $0xFFFFFE80  }
.LBB2_2:
0x24: {  	v3 =	vld [tilespmem:s1+$0xFFFFFFD0];
	_ =	sdelay $0x4  }
0x25: {  	v4 =	vshrl.u32 v3, $0x3  }
0x26: {  	v4 =	vmul.u32 $0x30, v4  }
0x27: {  	v3 =	vand.u32 $0x7, v3  }
0x28: {  	v3 =	vor.u32 v3, v4  }
0x29: {  	v4 =	vperm.xlane v3, v0;
	_ =	sdelay $0x1  }
0x2a: {  	v4 =	vadd.s32 v1, v4;
	_ =	sdelay $0x3  }
0x2b: {  	v3 =	vperm.xlane v3, v2  }
0x2c: {  	[tilespmem:s9], [sflag:$0x1] =	stream.indirect_vreg.gather [hbm4b:s2+s3], $0x80, v4, vm0, $0xb8;
	[tilespmem:$0x12200] =	vst v63  }
0x2d: {  	s4 =	rddreg [dreg:$0x4];
	v3 =	vadd.s32 v1, v3  }
0x2e: {  	[tilespmem:s4], [sflag:$0x1] =	stream.indirect_vreg.gather [hbm4b:s5+s3], $0x80, v4, vm0, $0xb8;
	[tilespmem:$0x12200] =	vst v63  }
0x2f: {  	s7 =	rddreg [dreg:$0x5]  }
0x30: {  	[tilespmem:s7], [sflag:$0x1] =	stream.indirect_vreg.gather [hbm4b:s6+s3], $0x80, v4, vm0, $0xb8;
	[tilespmem:$0x12200] =	vst v63  }
0x31: {  	s4 =	rddreg [dreg:$0x6]  }
0x32: {  	[tilespmem:s4], [sflag:$0x1] =	stream.indirect_vreg.gather [hbm4b:s2+s3], $0x80, v3, vm0, $0xb8;
	[tilespmem:$0x12200] =	vst v63  }
0x33: {  	s7 =	rddreg [dreg:$0x7]  }
0x34: {  	[tilespmem:s7], [sflag:$0x1] =	stream.indirect_vreg.gather [hbm4b:s5+s3], $0x80, v3, vm0, $0xb8;
	[tilespmem:$0x12200] =	vst v63  }
0x35: {  	s4 =	rddreg [dreg:$0x8]  }
0x36: {  	[tilespmem:s4], [sflag:$0x1] =	stream.indirect_vreg.gather [hbm4b:s6+s3], $0x80, v3, vm0, $0xb8;
	[tilespmem:$0x12200] =	vst v63  }
0x37: {  	v3 =	vld [tilespmem:s1+$0xFFFFFFE0];
	_ =	sdelay $0x4  }
0x38: {  	v59 =	vshrl.u32 v3, $0x3  }
0x39: {  	v4 =	vmul.u32 $0x30, v59  }
0x3a: {  	v3 =	vand.u32 $0x7, v3  }
0x3b: {  	v3 =	vor.u32 v3, v4  }
0x3c: {  	v4 =	vperm.xlane v3, v0;
	_ =	sdelay $0x1  }
0x3d: {  	v4 =	vadd.s32 v1, v4;
	_ =	sdelay $0x3  }
0x3e: {  	s4 =	rddreg [dreg:$0x9];
	v3 =	vperm.xlane v3, v2  }
0x3f: {  	[tilespmem:s4], [sflag:$0x1] =	stream.indirect_vreg.gather [hbm4b:s2+s3], $0x80, v4, vm0, $0xb8;
	[tilespmem:$0x12200] =	vst v63  }
0x40: {  	s7 =	rddreg [dreg:$0xa];
	v3 =	vadd.s32 v1, v3  }
0x41: {  	[tilespmem:s7], [sflag:$0x1] =	stream.indirect_vreg.gather [hbm4b:s5+s3], $0x80, v4, vm0, $0xb8;
	[tilespmem:$0x12200] =	vst v63  }
0x42: {  	s4 =	rddreg [dreg:$0xb]  }
0x43: {  	[tilespmem:s4], [sflag:$0x1] =	stream.indirect_vreg.gather [hbm4b:s6+s3], $0x80, v4, vm0, $0xb8;
	[tilespmem:$0x12200] =	vst v63  }
0x44: {  	s7 =	rddreg [dreg:$0xc]  }
0x45: {  	[tilespmem:s7], [sflag:$0x1] =	stream.indirect_vreg.gather [hbm4b:s2+s3], $0x80, v3, vm0, $0xb8;
	[tilespmem:$0x12200] =	vst v63  }
0x46: {  	s4 =	rddreg [dreg:$0xd]  }
0x47: {  	[tilespmem:s4], [sflag:$0x1] =	stream.indirect_vreg.gather [hbm4b:s5+s3], $0x80, v3, vm0, $0xb8;
	[tilespmem:$0x12200] =	vst v63  }
0x48: {  	s7 =	rddreg [dreg:$0xe]  }
0x49: {  	[tilespmem:s7], [sflag:$0x1] =	stream.indirect_vreg.gather [hbm4b:s6+s3], $0x80, v3, vm0, $0xb8;
	[tilespmem:$0x12200] =	vst v63  }
0x4a: {  	v3 =	vld [tilespmem:s1+$0xFFFFFFF0];
	_ =	sdelay $0x4  }
0x4b: {  	v60 =	vshrl.u32 v3, $0x3  }
0x4c: {  	v4 =	vmul.u32 $0x30, v60  }
0x4d: {  	v3 =	vand.u32 $0x7, v3  }
0x4e: {  	v3 =	vor.u32 v3, v4  }
0x4f: {  	v4 =	vperm.xlane v3, v0;
	_ =	sdelay $0x1  }
0x50: {  	v4 =	vadd.s32 v1, v4;
	_ =	sdelay $0x3  }
0x51: {  	s4 =	rddreg [dreg:$0xf];
	v3 =	vperm.xlane v3, v2  }
0x52: {  	[tilespmem:s4], [sflag:$0x1] =	stream.indirect_vreg.gather [hbm4b:s2+s3], $0x80, v4, vm0, $0xb8;
	[tilespmem:$0x12200] =	vst v63  }
0x53: {  	s7 =	rddreg [dreg:$0x10];
	v3 =	vadd.s32 v1, v3  }
0x54: {  	[tilespmem:s7], [sflag:$0x1] =	stream.indirect_vreg.gather [hbm4b:s5+s3], $0x80, v4, vm0, $0xb8;
	[tilespmem:$0x12200] =	vst v63  }
0x55: {  	s4 =	rddreg [dreg:$0x11]  }
0x56: {  	[tilespmem:s4], [sflag:$0x1] =	stream.indirect_vreg.gather [hbm4b:s6+s3], $0x80, v4, vm0, $0xb8;
	[tilespmem:$0x12200] =	vst v63  }
0x57: {  	s7 =	rddreg [dreg:$0x12]  }
0x58: {  	[tilespmem:s7], [sflag:$0x1] =	stream.indirect_vreg.gather [hbm4b:s2+s3], $0x80, v3, vm0, $0xb8;
	[tilespmem:$0x12200] =	vst v63  }
0x59: {  	s4 =	rddreg [dreg:$0x13]  }
0x5a: {  	[tilespmem:s4], [sflag:$0x1] =	stream.indirect_vreg.gather [hbm4b:s5+s3], $0x80, v3, vm0, $0xb8;
	[tilespmem:$0x12200] =	vst v63  }
0x5b: {  	_ = 	snop  }
0x5c: {  	[tilespmem:s10], [sflag:$0x1] =	stream.indirect_vreg.gather [hbm4b:s6+s3], $0x80, v3, vm0, $0xb8;
	[tilespmem:$0x12200] =	vst v63  }
0x5d: {  	v3 =	vld [tilespmem:s1+$0x0];
	_ =	sdelay $0x4  }
0x5e: {  	v61 =	vshrl.u32 v3, $0x3  }
0x5f: {  	v4 =	vmul.u32 $0x30, v61  }
0x60: {  	v3 =	vand.u32 $0x7, v3  }
0x61: {  	v3 =	vor.u32 v3, v4  }
0x62: {  	v4 =	vperm.xlane v3, v0;
	_ =	sdelay $0x1  }
0x63: {  	v4 =	vadd.s32 v1, v4;
	_ =	sdelay $0x3  }
0x64: {  	v3 =	vperm.xlane v3, v2  }
0x65: {  	[tilespmem:s11], [sflag:$0x1] =	stream.indirect_vreg.gather [hbm4b:s2+s3], $0x80, v4, vm0, $0xb8;
	[tilespmem:$0x12200] =	vst v63  }
0x66: {  	v3 =	vadd.s32 v1, v3  }
0x67: {  	[tilespmem:s12], [sflag:$0x1] =	stream.indirect_vreg.gather [hbm4b:s5+s3], $0x80, v4, vm0, $0xb8;
	[tilespmem:$0x12200] =	vst v63  }
0x68: {  	_ = 	snop  }
0x69: {  	[tilespmem:s13], [sflag:$0x1] =	stream.indirect_vreg.gather [hbm4b:s6+s3], $0x80, v4, vm0, $0xb8;
	[tilespmem:$0x12200] =	vst v63  }
0x6a: {  	_ = 	snop  }
0x6b: {  	[tilespmem:s14], [sflag:$0x1] =	stream.indirect_vreg.gather [hbm4b:s2+s3], $0x80, v3, vm0, $0xb8;
	[tilespmem:$0x12200] =	vst v63  }
0x6c: {  	_ = 	snop  }
0x6d: {  	[tilespmem:s15], [sflag:$0x1] =	stream.indirect_vreg.gather [hbm4b:s5+s3], $0x80, v3, vm0, $0xb8;
	[tilespmem:$0x12200] =	vst v63  }
0x6e: {  	_ = 	snop  }
0x6f: {  	[tilespmem:s16], [sflag:$0x1] =	stream.indirect_vreg.gather [hbm4b:s6+s3], $0x80, v3, vm0, $0xb8;
	[tilespmem:$0x12200] =	vst v63  }
0x70: {  	v3 =	vld [tilespmem:s1+$0x10];
	_ =	sdelay $0x4  }
0x71: {  	v62 =	vshrl.u32 v3, $0x3  }
0x72: {  	v4 =	vmul.u32 $0x30, v62  }
0x73: {  	v3 =	vand.u32 $0x7, v3  }
0x74: {  	v3 =	vor.u32 v3, v4  }
0x75: {  	v4 =	vperm.xlane v3, v0;
	_ =	sdelay $0x1  }
0x76: {  	v4 =	vadd.s32 v1, v4;
	_ =	sdelay $0x3  }
0x77: {  	v3 =	vperm.xlane v3, v2  }
0x78: {  	[tilespmem:s17], [sflag:$0x1] =	stream.indirect_vreg.gather [hbm4b:s2+s3], $0x80, v4, vm0, $0xb8;
	[tilespmem:$0x12200] =	vst v63  }
0x79: {  	v3 =	vadd.s32 v1, v3  }
0x7a: {  	[tilespmem:s18], [sflag:$0x1] =	stream.indirect_vreg.gather [hbm4b:s5+s3], $0x80, v4, vm0, $0xb8;
	[tilespmem:$0x12200] =	vst v63  }
0x7b: {  	_ = 	snop  }
0x7c: {  	[tilespmem:s19], [sflag:$0x1] =	stream.indirect_vreg.gather [hbm4b:s6+s3], $0x80, v4, vm0, $0xb8;
	[tilespmem:$0x12200] =	vst v63  }
0x7d: {  	_ = 	snop  }
0x7e: {  	[tilespmem:s20], [sflag:$0x1] =	stream.indirect_vreg.gather [hbm4b:s2+s3], $0x80, v3, vm0, $0xb8;
	[tilespmem:$0x12200] =	vst v63  }
0x7f: {  	_ = 	snop  }
0x80: {  	[tilespmem:s21], [sflag:$0x1] =	stream.indirect_vreg.gather [hbm4b:s5+s3], $0x80, v3, vm0, $0xb8;
	[tilespmem:$0x12200] =	vst v63  }
0x81: {  	_ = 	snop  }
0x82: {  	[tilespmem:s22], [sflag:$0x1] =	stream.indirect_vreg.gather [hbm4b:s6+s3], $0x80, v3, vm0, $0xb8;
	[tilespmem:$0x12200] =	vst v63  }
0x83: {  	v3 =	vld [tilespmem:s1+$0x20];
	_ =	sdelay $0x4  }
0x84: {  	v63 =	vshrl.u32 v3, $0x3  }
0x85: {  	v4 =	vmul.u32 $0x30, v63  }
0x86: {  	v3 =	vand.u32 $0x7, v3  }
0x87: {  	v3 =	vor.u32 v3, v4  }
0x88: {  	v4 =	vperm.xlane v3, v0;
	_ =	sdelay $0x1  }
0x89: {  	v4 =	vadd.s32 v1, v4;
	_ =	sdelay $0x3  }
0x8a: {  	v3 =	vperm.xlane v3, v2  }
0x8b: {  	[tilespmem:s23], [sflag:$0x1] =	stream.indirect_vreg.gather [hbm4b:s2+s3], $0x80, v4, vm0, $0xb8;
	[tilespmem:$0x12200] =	vst v63  }
0x8c: {  	v3 =	vadd.s32 v1, v3  }
0x8d: {  	[tilespmem:s24], [sflag:$0x1] =	stream.indirect_vreg.gather [hbm4b:s5+s3], $0x80, v4, vm0, $0xb8;
	[tilespmem:$0x12200] =	vst v63  }
0x8e: {  	_ = 	snop  }
0x8f: {  	[tilespmem:s25], [sflag:$0x1] =	stream.indirect_vreg.gather [hbm4b:s6+s3], $0x80, v4, vm0, $0xb8;
	[tilespmem:$0x12200] =	vst v63  }
0x90: {  	_ = 	snop  }
0x91: {  	[tilespmem:s26], [sflag:$0x1] =	stream.indirect_vreg.gather [hbm4b:s2+s3], $0x80, v3, vm0, $0xb8;
	[tilespmem:$0x12200] =	vst v63  }
0x92: {  	_ = 	snop  }
0x93: {  	[tilespmem:s28], [sflag:$0x1] =	stream.indirect_vreg.gather [hbm4b:s5+s3], $0x80, v3, vm0, $0xb8;
	[tilespmem:$0x12200] =	vst v63  }
0x94: {  	_ = 	snop  }
0x95: {  	[tilespmem:s29], [sflag:$0x1] =	stream.indirect_vreg.gather [hbm4b:s6+s3], $0x80, v3, vm0, $0xb8;
	[tilespmem:$0x12200] =	vst v63  }
0x96: {  	_ =	swait.ge [sflag:s30], $0x12000  }
0x97: {  	p0 =	sne.s32 s0, $0x4800;
	s7 =	rddreg [dreg:$0x3];
	[sflag:s30] =	ssyncset.done $0x0  }
.Ltmp0:
0x98: {  	[sflag:s30] =	ssyncadd.s32 $0xFFFEE000;
	s4 =	sadd.s32 s0, s7;
	(pc) =	sbr.rel @p0 .LBB2_2-.Ltmp0, $4  }
0x99: {  	[hbm4b:s4+s3] =	stream.linear.scatter [tilespmem:s9], [sflag:$0x2], $0x12000, $0x38;
	[tilespmem:$0x12200] =	vst v63  }
0x9a: {  	_ =	swait.ge [sflag:s8], $0x12000  }
0x9b: {  	[sflag:s8] =	ssyncset.done $0x0  }
0x9c: {  	s1 =	sadd.s32 $0x80, s1;
	s0 =	sadd.s32 $0x2400, s0;
	[sflag:s8] =	ssyncadd.s32 $0xFFFEE000  }
0x9d: {  	s31 =	sadd.s32 $0x1, s31;
	s0 =	rddreg [dreg:$0x15]  }
0x9e: {  	p0 =	sne.s32 s31, s0  }
.Ltmp1:
0x9f: {  	_ = 	snop;
	(pc) =	sbr.rel @p0 .LBB2_1-.Ltmp1, $1  }
0xa0: {  	_ =	sdelay $0x3  }
0xa1: {  	_ =	sfence.sel $0x180000  }
0xa2: {  	[bflag:$0x0] =	sbarrier.arrive $0xFFFF  }
0xa3: {  	_ =	strace $0x9000004A  }
0xa4: {  	s0 =	stileid.u32;
	[bflag:$0x2] =	sbarrier.arrive $0xFFFF  }
0xa5: {  	p0 =	sne.s32 s0, $0x0;
	s0 =	rddreg [dreg:$0x2]  }
0xa6: {  	s0 =	sadd.s32 @!p0 $0x100000, s0  }
0xa7: {  	[sflag:s0] =	ssyncadd.tile.s32 @!p0 $0x1;
	_ =	shalt  }
.Lfunc_end2:
_tile_overlayer_lowered:
.L_overlay_start_2:
0xa8: {  	(tag) =	ssettag $0x2  }
0xa9: {  	s0 =	rddreg [dreg:$0x0];
	s2 =	stileid.u32  }
0xaa: {  	s1 =	rddreg [dreg:$0x1];
	p0 =	sne.s32 s2, $0x0  }
0xab: {  	s3 =	rddreg [dreg:$0x2];
	[bflag:$0x3] =	sbarrier.arrive $0xFFFF;
	s2 =	simm.s32 @!p0 $0x1C02  }
0xac: {  	[timem:s3], [sflag:s2] =	dma.local @!p0 [hbm:s0], s1  }
0xad: {  	s0 =	simm.s32 @!p0 $0x2  }
0xae: {  	_ =	swait.ge @!p0 [sflag:s0], s1  }
0xaf: {  	s1 =	ssub.s32 @!p0 $0x0, s1;
	[sflag:s0] =	ssyncset.done @!p0 $0x0  }
0xb0: {  	[sflag:s0] =	ssyncadd.s32 @!p0 s1  }
0xb1: {  	[bflag:$0x3] =	sbarrier.arrive $0xFFFF  }
0xb2: {  	_ =	shalt  }

</sc_bundles>
